<compile_context>
chip_gen: v7x
topology: tpu7x:2x2x1
jax: 0.10.2.dev20260603
libtpu: 0.0.44.dev20260713+nightly
codegen_flags: <defaults>
</compile_context>

<pallas_src>
import functools

import jax
import jax.numpy as jnp
from jax import lax
from jax.experimental import pallas as pl
from jax.experimental.pallas import tpu as pltpu
from jax.experimental.pallas import tpu_sc as plsc

TOP_K = 2
NUM_EXPERTS = 64
HIDDEN = 2048
TOKENS = 8192
BLOCK_T = 1024

NC = 2
NS = 16
LANES = 16
NW = NC * NS
CHUNK = TOKENS // NW
GROUPS = CHUNK // LANES


def _tc_topk_block(x_ref, w_ref, b_ref, p_ref, i_ref):
    logits = lax.dot_general(
        x_ref[...], w_ref[...], (((1,), (1,)), ((), ())),
        preferred_element_type=jnp.float32)
    logits = logits + b_ref[...]

    eidx = lax.broadcasted_iota(jnp.int32, logits.shape, 1)
    m1 = jnp.max(logits, axis=1, keepdims=True)
    i1 = jnp.min(jnp.where(logits == m1, eidx, NUM_EXPERTS), axis=1,
                 keepdims=True)
    masked = jnp.where(eidx == i1, -jnp.inf, logits)
    m2 = jnp.max(masked, axis=1, keepdims=True)
    i2 = jnp.min(jnp.where(masked == m2, eidx, NUM_EXPERTS), axis=1,
                 keepdims=True)

    d = jnp.exp(m2 - m1)
    p1 = 1.0 / (1.0 + d)
    p2 = d * p1

    p_ref[...] = jnp.concatenate([p1, p2], axis=1)
    i_ref[...] = jnp.concatenate([i1, i2], axis=1)


def _tc_topk(x, W, b):
    return pl.pallas_call(
        _tc_topk_block,
        grid=(TOKENS // BLOCK_T,),
        in_specs=[
            pl.BlockSpec((BLOCK_T, HIDDEN), lambda i: (i, 0)),
            pl.BlockSpec((NUM_EXPERTS, HIDDEN), lambda i: (0, 0)),
            pl.BlockSpec((1, NUM_EXPERTS), lambda i: (0, 0)),
        ],
        out_specs=[
            pl.BlockSpec((BLOCK_T, TOP_K), lambda i: (i, 0)),
            pl.BlockSpec((BLOCK_T, TOP_K), lambda i: (i, 0)),
        ],
        out_shape=[
            jax.ShapeDtypeStruct((TOKENS, TOP_K), jnp.float32),
            jax.ShapeDtypeStruct((TOKENS, TOP_K), jnp.int32),
        ],
    )(x, W, b.reshape(1, NUM_EXPERTS))


def _sc_scatter_body(p_hbm, i_hbm, scores_hbm, p_v, i_v, scores_v):
    wid = lax.axis_index("s") * NC + lax.axis_index("c")
    base = wid * CHUNK
    pltpu.sync_copy(p_hbm.at[pl.ds(base, CHUNK)], p_v)
    pltpu.sync_copy(i_hbm.at[pl.ds(base, CHUNK)], i_v)

    iota = lax.broadcasted_iota(jnp.int32, (LANES,), 0)
    zf = jnp.zeros((LANES,), jnp.float32)
    zi = jnp.zeros((LANES,), jnp.int32)

    def group_body(g, carry):
        t0 = g * LANES
        for j in range(LANES):
            for k in range(NUM_EXPERTS // LANES):
                scores_v[t0 + j, pl.ds(k * LANES, LANES)] = zf
        tok = t0 + iota
        p1 = plsc.load_gather(p_v, [tok, zi])
        p2 = plsc.load_gather(p_v, [tok, zi + 1])
        i1 = plsc.load_gather(i_v, [tok, zi])
        i2 = plsc.load_gather(i_v, [tok, zi + 1])
        plsc.store_scatter(scores_v, [tok, i1], p1)
        plsc.store_scatter(scores_v, [tok, i2], p2)
        return carry

    lax.fori_loop(0, GROUPS, group_body, 0)

    pltpu.sync_copy(scores_v, scores_hbm.at[pl.ds(base, CHUNK)])


_sc_scatter = functools.partial(
    pl.kernel,
    out_type=jax.ShapeDtypeStruct((TOKENS, NUM_EXPERTS), jnp.float32),
    mesh=plsc.VectorSubcoreMesh(core_axis_name="c", subcore_axis_name="s",
                                num_cores=NC, num_subcores=NS),
    scratch_types=[
        pltpu.VMEM((CHUNK, TOP_K), jnp.float32),
        pltpu.VMEM((CHUNK, TOP_K), jnp.int32),
        pltpu.VMEM((CHUNK, NUM_EXPERTS), jnp.float32),
    ],
    compiler_params=pltpu.CompilerParams(needs_layout_passes=False,
                                         use_tc_tiling_on_sc=False),
)(_sc_scatter_body)


def kernel(hidden_states, W, b):
    x = hidden_states.reshape(-1, HIDDEN)
    pv, iv = _tc_topk(x, W, b)
    scores = _sc_scatter(pv, iv)
    return scores, iv

# --- scband reference (transcript-rebuilt; emitter-appended) ---
"""Pipeline reference for scband-patched-gpt-oss-top-krouter-30777735643925 (READ-ONLY COPY).

The authoritative reference and input builder live on the scoring server;
editing this copy changes nothing except your own understanding.
"""

import jax, jax.numpy as jnp
import numpy as np

TOP_K = 2
NUM_EXPERTS = 64
HIDDEN = 2048
TOKENS = 8192

def setup_inputs(seed: int = 0) -> dict:
    key = jax.random.key(seed)
    k1, k2, k3 = jax.random.split(key, 3)
    hidden_states = jax.random.normal(k1, (TOKENS, HIDDEN), dtype=jnp.float32)
    # Linear layer params: weight [num_experts, hidden], bias [num_experts]
    W = jax.random.normal(k2, (NUM_EXPERTS, HIDDEN), dtype=jnp.float32) * (1.0 / np.sqrt(HIDDEN))
    b = jax.random.normal(k3, (NUM_EXPERTS,), dtype=jnp.float32) * 0.01
    return {"hidden_states": hidden_states, "W": W, "b": b}

def reference(hidden_states, W, b):
    x = hidden_states.reshape(-1, HIDDEN)
    router_logits = x @ W.T + b  # [T, E]
    router_top_value, router_indices = jax.lax.top_k(router_logits, TOP_K)  # [T, k]
    router_top_value = jax.nn.softmax(router_top_value, axis=1)
    rows = jnp.arange(router_logits.shape[0])[:, None]
    router_scores = jnp.zeros_like(router_logits).at[rows, router_indices].set(router_top_value)
    return (router_scores, router_indices)

if __name__ == "__main__":
    import jax
    _d = setup_inputs()
    print(jax.jit(kernel)(*tuple(_d.values())))

</pallas_src>

<mosaic_0001>
#map = affine_map<(d0, d1) -> (0, 0)>
module attributes {stable_mosaic.version = 14 : i64} {
  func.func @_sc_scatter_body(%arg0: i32, %arg1: i32, %arg2: memref<8192x2xf32, #tpu.memory_space<hbm>>, %arg3: memref<8192x2xi32, #tpu.memory_space<hbm>>, %arg4: memref<8192x64xf32, #tpu.memory_space<hbm>>, %arg5: memref<256x2xf32, #tpu.memory_space<vmem>>, %arg6: memref<256x2xi32, #tpu.memory_space<vmem>>, %arg7: memref<256x64xf32, #tpu.memory_space<vmem>>) attributes {dimension_semantics = [#tpu.dimension_semantics<core_parallel>, #tpu.dimension_semantics<subcore_parallel>], iteration_bounds = array<i64: 2, 16>, scalar_prefetch = 0 : i64, scratch_operands = 3 : i64, tpu.core_type = #tpu.core_type<sc_vector_subcore>, window_params = [{transform_indices = #map}, {transform_indices = #map}, {transform_indices = #map}]} {
    %mul3A = arith.constant 2 : i32
    %mul3A_0 = arith.muli %arg1, %mul3A : i32
    %add3A = arith.addi %mul3A_0, %arg0 : i32
    %mul3A_1 = arith.constant 256 : i32
    %mul3A_2 = arith.muli %add3A, %mul3A_1 : i32
    "tpu.region"() ({
      %run_scoped3A = tpu.sem_alloc : memref<!tpu.dma_semaphore, #tpu.memory_space<semaphore_mem>>
      %dma_start3A = arith.constant 0 : i32
      %dma_start3A_11 = tpu.memref_slice %arg2[%mul3A_2, %dma_start3A] : memref<8192x2xf32, #tpu.memory_space<hbm>> -> memref<256x2xf32, #tpu.memory_space<hbm>>
      %dma_start3A_12 = arith.constant 0 : i32
      %dma_start3A_13 = tpu.memref_slice %arg2[%mul3A_2, %dma_start3A_12] : memref<8192x2xf32, #tpu.memory_space<hbm>> -> memref<256x2xf32, #tpu.memory_space<hbm>>
      tpu.enqueue_dma source(%dma_start3A_13 : memref<256x2xf32, #tpu.memory_space<hbm>>) target(%arg5 : memref<256x2xf32, #tpu.memory_space<vmem>>) target_semaphore(%run_scoped3A : memref<!tpu.dma_semaphore, #tpu.memory_space<semaphore_mem>>)
      %dma_wait3A = arith.constant 0 : i32
      %dma_wait3A_14 = tpu.memref_slice %arg2[%mul3A_2, %dma_wait3A] : memref<8192x2xf32, #tpu.memory_space<hbm>> -> memref<256x2xf32, #tpu.memory_space<hbm>>
      %dma_wait3A_15 = arith.constant 0 : i32
      %dma_wait3A_16 = tpu.memref_slice %arg2[%mul3A_2, %dma_wait3A_15] : memref<8192x2xf32, #tpu.memory_space<hbm>> -> memref<256x2xf32, #tpu.memory_space<hbm>>
      tpu.wait_dma2 semaphore(%run_scoped3A : memref<!tpu.dma_semaphore, #tpu.memory_space<semaphore_mem>>) src(%dma_wait3A_16 : memref<256x2xf32, #tpu.memory_space<hbm>>) dst(%arg5 : memref<256x2xf32, #tpu.memory_space<vmem>>)
      tpu.yield
    }) : () -> ()
    "tpu.region"() ({
      %run_scoped3A = tpu.sem_alloc : memref<!tpu.dma_semaphore, #tpu.memory_space<semaphore_mem>>
      %dma_start3A = arith.constant 0 : i32
      %dma_start3A_11 = tpu.memref_slice %arg3[%mul3A_2, %dma_start3A] : memref<8192x2xi32, #tpu.memory_space<hbm>> -> memref<256x2xi32, #tpu.memory_space<hbm>>
      %dma_start3A_12 = arith.constant 0 : i32
      %dma_start3A_13 = tpu.memref_slice %arg3[%mul3A_2, %dma_start3A_12] : memref<8192x2xi32, #tpu.memory_space<hbm>> -> memref<256x2xi32, #tpu.memory_space<hbm>>
      tpu.enqueue_dma source(%dma_start3A_13 : memref<256x2xi32, #tpu.memory_space<hbm>>) target(%arg6 : memref<256x2xi32, #tpu.memory_space<vmem>>) target_semaphore(%run_scoped3A : memref<!tpu.dma_semaphore, #tpu.memory_space<semaphore_mem>>)
      %dma_wait3A = arith.constant 0 : i32
      %dma_wait3A_14 = tpu.memref_slice %arg3[%mul3A_2, %dma_wait3A] : memref<8192x2xi32, #tpu.memory_space<hbm>> -> memref<256x2xi32, #tpu.memory_space<hbm>>
      %dma_wait3A_15 = arith.constant 0 : i32
      %dma_wait3A_16 = tpu.memref_slice %arg3[%mul3A_2, %dma_wait3A_15] : memref<8192x2xi32, #tpu.memory_space<hbm>> -> memref<256x2xi32, #tpu.memory_space<hbm>>
      tpu.wait_dma2 semaphore(%run_scoped3A : memref<!tpu.dma_semaphore, #tpu.memory_space<semaphore_mem>>) src(%dma_wait3A_16 : memref<256x2xi32, #tpu.memory_space<hbm>>) dst(%arg6 : memref<256x2xi32, #tpu.memory_space<vmem>>)
      tpu.yield
    }) : () -> ()
    %iota3A = tpu.iota {dimensions = array<i32: 0>} : vector<16xi32>
    %broadcast_in_dim3A = arith.constant 0.000000e+00 : f32
    %broadcast_in_dim3A_3 = vector.broadcast %broadcast_in_dim3A : f32 to vector<16xf32>
    %broadcast_in_dim3A_4 = arith.constant 0 : i32
    %broadcast_in_dim3A_5 = vector.broadcast %broadcast_in_dim3A_4 : i32 to vector<16xi32>
    %scan3A = arith.constant 0 : i32
    %scan3A_6 = arith.constant 0 : i32
    %scan3A_7 = arith.constant 16 : i32
    %scan3A_8 = arith.addi %scan3A_6, %scan3A_7 : i32
    %scan3A_9 = arith.constant 1 : i32
    scf.for %scan3A_11 = %scan3A_6 to %scan3A_8 step %scan3A_9  : i32 {
      %mul3A_12 = arith.constant 16 : i32
      %mul3A_13 = arith.muli %scan3A_11, %mul3A_12 : i32
      %add3A_14 = arith.constant 0 : i32
      %add3A_15 = arith.addi %mul3A_13, %add3A_14 : i32
      %swap3A = arith.index_cast %add3A_15 : i32 to index
      %swap3A_16 = arith.constant 0 : index
      %swap3A_17 = tpu.vector_load %arg7[%swap3A, %swap3A_16] {strides = array<i32>} : memref<256x64xf32, #tpu.memory_space<vmem>>, vector<16xf32>,
      tpu.vector_store %arg7[%swap3A, %swap3A_16], %broadcast_in_dim3A_3 {strides = array<i32>} : memref<256x64xf32, #tpu.memory_space<vmem>>, vector<16xf32>,
      %add3A_18 = arith.constant 0 : i32
      %add3A_19 = arith.addi %mul3A_13, %add3A_18 : i32
      %swap3A_20 = arith.index_cast %add3A_19 : i32 to index
      %swap3A_21 = arith.constant 16 : index
      %swap3A_22 = tpu.vector_load %arg7[%swap3A_20, %swap3A_21] {strides = array<i32>} : memref<256x64xf32, #tpu.memory_space<vmem>>, vector<16xf32>,
      tpu.vector_store %arg7[%swap3A_20, %swap3A_21], %broadcast_in_dim3A_3 {strides = array<i32>} : memref<256x64xf32, #tpu.memory_space<vmem>>, vector<16xf32>,
      %add3A_23 = arith.constant 0 : i32
      %add3A_24 = arith.addi %mul3A_13, %add3A_23 : i32
      %swap3A_25 = arith.index_cast %add3A_24 : i32 to index
      %swap3A_26 = arith.constant 32 : index
      %swap3A_27 = tpu.vector_load %arg7[%swap3A_25, %swap3A_26] {strides = array<i32>} : memref<256x64xf32, #tpu.memory_space<vmem>>, vector<16xf32>,
      tpu.vector_store %arg7[%swap3A_25, %swap3A_26], %broadcast_in_dim3A_3 {strides = array<i32>} : memref<256x64xf32, #tpu.memory_space<vmem>>, vector<16xf32>,
      %add3A_28 = arith.constant 0 : i32
      %add3A_29 = arith.addi %mul3A_13, %add3A_28 : i32
      %swap3A_30 = arith.index_cast %add3A_29 : i32 to index
      %swap3A_31 = arith.constant 48 : index
      %swap3A_32 = tpu.vector_load %arg7[%swap3A_30, %swap3A_31] {strides = array<i32>} : memref<256x64xf32, #tpu.memory_space<vmem>>, vector<16xf32>,
      tpu.vector_store %arg7[%swap3A_30, %swap3A_31], %broadcast_in_dim3A_3 {strides = array<i32>} : memref<256x64xf32, #tpu.memory_space<vmem>>, vector<16xf32>,
      %add3A_33 = arith.constant 1 : i32
      %add3A_34 = arith.addi %mul3A_13, %add3A_33 : i32
      %swap3A_35 = arith.index_cast %add3A_34 : i32 to index
      %swap3A_36 = arith.constant 0 : index
      %swap3A_37 = tpu.vector_load %arg7[%swap3A_35, %swap3A_36] {strides = array<i32>} : memref<256x64xf32, #tpu.memory_space<vmem>>, vector<16xf32>,
      tpu.vector_store %arg7[%swap3A_35, %swap3A_36], %broadcast_in_dim3A_3 {strides = array<i32>} : memref<256x64xf32, #tpu.memory_space<vmem>>, vector<16xf32>,
      %add3A_38 = arith.constant 1 : i32
      %add3A_39 = arith.addi %mul3A_13, %add3A_38 : i32
      %swap3A_40 = arith.index_cast %add3A_39 : i32 to index
      %swap3A_41 = arith.constant 16 : index
      %swap3A_42 = tpu.vector_load %arg7[%swap3A_40, %swap3A_41] {strides = array<i32>} : memref<256x64xf32, #tpu.memory_space<vmem>>, vector<16xf32>,
      tpu.vector_store %arg7[%swap3A_40, %swap3A_41], %broadcast_in_dim3A_3 {strides = array<i32>} : memref<256x64xf32, #tpu.memory_space<vmem>>, vector<16xf32>,
      %add3A_43 = arith.constant 1 : i32
      %add3A_44 = arith.addi %mul3A_13, %add3A_43 : i32
      %swap3A_45 = arith.index_cast %add3A_44 : i32 to index
      %swap3A_46 = arith.constant 32 : index
      %swap3A_47 = tpu.vector_load %arg7[%swap3A_45, %swap3A_46] {strides = array<i32>} : memref<256x64xf32, #tpu.memory_space<vmem>>, vector<16xf32>,
      tpu.vector_store %arg7[%swap3A_45, %swap3A_46], %broadcast_in_dim3A_3 {strides = array<i32>} : memref<256x64xf32, #tpu.memory_space<vmem>>, vector<16xf32>,
      %add3A_48 = arith.constant 1 : i32
      %add3A_49 = arith.addi %mul3A_13, %add3A_48 : i32
      %swap3A_50 = arith.index_cast %add3A_49 : i32 to index
      %swap3A_51 = arith.constant 48 : index
      %swap3A_52 = tpu.vector_load %arg7[%swap3A_50, %swap3A_51] {strides = array<i32>} : memref<256x64xf32, #tpu.memory_space<vmem>>, vector<16xf32>,
      tpu.vector_store %arg7[%swap3A_50, %swap3A_51], %broadcast_in_dim3A_3 {strides = array<i32>} : memref<256x64xf32, #tpu.memory_space<vmem>>, vector<16xf32>,
      %add3A_53 = arith.constant 2 : i32
      %add3A_54 = arith.addi %mul3A_13, %add3A_53 : i32
      %swap3A_55 = arith.index_cast %add3A_54 : i32 to index
      %swap3A_56 = arith.constant 0 : index
      %swap3A_57 = tpu.vector_load %arg7[%swap3A_55, %swap3A_56] {strides = array<i32>} : memref<256x64xf32, #tpu.memory_space<vmem>>, vector<16xf32>,
      tpu.vector_store %arg7[%swap3A_55, %swap3A_56], %broadcast_in_dim3A_3 {strides = array<i32>} : memref<256x64xf32, #tpu.memory_space<vmem>>, vector<16xf32>,
      %add3A_58 = arith.constant 2 : i32
      %add3A_59 = arith.addi %mul3A_13, %add3A_58 : i32
      %swap3A_60 = arith.index_cast %add3A_59 : i32 to index
      %swap3A_61 = arith.constant 16 : index
      %swap3A_62 = tpu.vector_load %arg7[%swap3A_60, %swap3A_61] {strides = array<i32>} : memref<256x64xf32, #tpu.memory_space<vmem>>, vector<16xf32>,
      tpu.vector_store %arg7[%swap3A_60, %swap3A_61], %broadcast_in_dim3A_3 {strides = array<i32>} : memref<256x64xf32, #tpu.memory_space<vmem>>, vector<16xf32>,
      %add3A_63 = arith.constant 2 : i32
      %add3A_64 = arith.addi %mul3A_13, %add3A_63 : i32
      %swap3A_65 = arith.index_cast %add3A_64 : i32 to index
      %swap3A_66 = arith.constant 32 : index
      %swap3A_67 = tpu.vector_load %arg7[%swap3A_65, %swap3A_66] {strides = array<i32>} : memref<256x64xf32, #tpu.memory_space<vmem>>, vector<16xf32>,
      tpu.vector_store %arg7[%swap3A_65, %swap3A_66], %broadcast_in_dim3A_3 {strides = array<i32>} : memref<256x64xf32, #tpu.memory_space<vmem>>, vector<16xf32>,
      %add3A_68 = arith.constant 2 : i32
      %add3A_69 = arith.addi %mul3A_13, %add3A_68 : i32
      %swap3A_70 = arith.index_cast %add3A_69 : i32 to index
      %swap3A_71 = arith.constant 48 : index
      %swap3A_72 = tpu.vector_load %arg7[%swap3A_70, %swap3A_71] {strides = array<i32>} : memref<256x64xf32, #tpu.memory_space<vmem>>, vector<16xf32>,
      tpu.vector_store %arg7[%swap3A_70, %swap3A_71], %broadcast_in_dim3A_3 {strides = array<i32>} : memref<256x64xf32, #tpu.memory_space<vmem>>, vector<16xf32>,
      %add3A_73 = arith.constant 3 : i32
      %add3A_74 = arith.addi %mul3A_13, %add3A_73 : i32
      %swap3A_75 = arith.index_cast %add3A_74 : i32 to index
      %swap3A_76 = arith.constant 0 : index
      %swap3A_77 = tpu.vector_load %arg7[%swap3A_75, %swap3A_76] {strides = array<i32>} : memref<256x64xf32, #tpu.memory_space<vmem>>, vector<16xf32>,
      tpu.vector_store %arg7[%swap3A_75, %swap3A_76], %broadcast_in_dim3A_3 {strides = array<i32>} : memref<256x64xf32, #tpu.memory_space<vmem>>, vector<16xf32>,
      %add3A_78 = arith.constant 3 : i32
      %add3A_79 = arith.addi %mul3A_13, %add3A_78 : i32
      %swap3A_80 = arith.index_cast %add3A_79 : i32 to index
      %swap3A_81 = arith.constant 16 : index
      %swap3A_82 = tpu.vector_load %arg7[%swap3A_80, %swap3A_81] {strides = array<i32>} : memref<256x64xf32, #tpu.memory_space<vmem>>, vector<16xf32>,
      tpu.vector_store %arg7[%swap3A_80, %swap3A_81], %broadcast_in_dim3A_3 {strides = array<i32>} : memref<256x64xf32, #tpu.memory_space<vmem>>, vector<16xf32>,
      %add3A_83 = arith.constant 3 : i32
      %add3A_84 = arith.addi %mul3A_13, %add3A_83 : i32
      %swap3A_85 = arith.index_cast %add3A_84 : i32 to index
      %swap3A_86 = arith.constant 32 : index
      %swap3A_87 = tpu.vector_load %arg7[%swap3A_85, %swap3A_86] {strides = array<i32>} : memref<256x64xf32, #tpu.memory_space<vmem>>, vector<16xf32>,
      tpu.vector_store %arg7[%swap3A_85, %swap3A_86], %broadcast_in_dim3A_3 {strides = array<i32>} : memref<256x64xf32, #tpu.memory_space<vmem>>, vector<16xf32>,
      %add3A_88 = arith.constant 3 : i32
      %add3A_89 = arith.addi %mul3A_13, %add3A_88 : i32
      %swap3A_90 = arith.index_cast %add3A_89 : i32 to index
      %swap3A_91 = arith.constant 48 : index
      %swap3A_92 = tpu.vector_load %arg7[%swap3A_90, %swap3A_91] {strides = array<i32>} : memref<256x64xf32, #tpu.memory_space<vmem>>, vector<16xf32>,
      tpu.vector_store %arg7[%swap3A_90, %swap3A_91], %broadcast_in_dim3A_3 {strides = array<i32>} : memref<256x64xf32, #tpu.memory_space<vmem>>, vector<16xf32>,
      %add3A_93 = arith.constant 4 : i32
      %add3A_94 = arith.addi %mul3A_13, %add3A_93 : i32
      %swap3A_95 = arith.index_cast %add3A_94 : i32 to index
      %swap3A_96 = arith.constant 0 : index
      %swap3A_97 = tpu.vector_load %arg7[%swap3A_95, %swap3A_96] {strides = array<i32>} : memref<256x64xf32, #tpu.memory_space<vmem>>, vector<16xf32>,
      tpu.vector_store %arg7[%swap3A_95, %swap3A_96], %broadcast_in_dim3A_3 {strides = array<i32>} : memref<256x64xf32, #tpu.memory_space<vmem>>, vector<16xf32>,
      %add3A_98 = arith.constant 4 : i32
      %add3A_99 = arith.addi %mul3A_13, %add3A_98 : i32
      %swap3A_100 = arith.index_cast %add3A_99 : i32 to index
      %swap3A_101 = arith.constant 16 : index
      %swap3A_102 = tpu.vector_load %arg7[%swap3A_100, %swap3A_101] {strides = array<i32>} : memref<256x64xf32, #tpu.memory_space<vmem>>, vector<16xf32>,
      tpu.vector_store %arg7[%swap3A_100, %swap3A_101], %broadcast_in_dim3A_3 {strides = array<i32>} : memref<256x64xf32, #tpu.memory_space<vmem>>, vector<16xf32>,
      %add3A_103 = arith.constant 4 : i32
      %add3A_104 = arith.addi %mul3A_13, %add3A_103 : i32
      %swap3A_105 = arith.index_cast %add3A_104 : i32 to index
      %swap3A_106 = arith.constant 32 : index
      %swap3A_107 = tpu.vector_load %arg7[%swap3A_105, %swap3A_106] {strides = array<i32>} : memref<256x64xf32, #tpu.memory_space<vmem>>, vector<16xf32>,
      tpu.vector_store %arg7[%swap3A_105, %swap3A_106], %broadcast_in_dim3A_3 {strides = array<i32>} : memref<256x64xf32, #tpu.memory_space<vmem>>, vector<16xf32>,
      %add3A_108 = arith.constant 4 : i32
      %add3A_109 = arith.addi %mul3A_13, %add3A_108 : i32
      %swap3A_110 = arith.index_cast %add3A_109 : i32 to index
      %swap3A_111 = arith.constant 48 : index
      %swap3A_112 = tpu.vector_load %arg7[%swap3A_110, %swap3A_111] {strides = array<i32>} : memref<256x64xf32, #tpu.memory_space<vmem>>, vector<16xf32>,
      tpu.vector_store %arg7[%swap3A_110, %swap3A_111], %broadcast_in_dim3A_3 {strides = array<i32>} : memref<256x64xf32, #tpu.memory_space<vmem>>, vector<16xf32>,
      %add3A_113 = arith.constant 5 : i32
      %add3A_114 = arith.addi %mul3A_13, %add3A_113 : i32
      %swap3A_115 = arith.index_cast %add3A_114 : i32 to index
      %swap3A_116 = arith.constant 0 : index
      %swap3A_117 = tpu.vector_load %arg7[%swap3A_115, %swap3A_116] {strides = array<i32>} : memref<256x64xf32, #tpu.memory_space<vmem>>, vector<16xf32>,
      tpu.vector_store %arg7[%swap3A_115, %swap3A_116], %broadcast_in_dim3A_3 {strides = array<i32>} : memref<256x64xf32, #tpu.memory_space<vmem>>, vector<16xf32>,
      %add3A_118 = arith.constant 5 : i32
      %add3A_119 = arith.addi %mul3A_13, %add3A_118 : i32
      %swap3A_120 = arith.index_cast %add3A_119 : i32 to index
      %swap3A_121 = arith.constant 16 : index
      %swap3A_122 = tpu.vector_load %arg7[%swap3A_120, %swap3A_121] {strides = array<i32>} : memref<256x64xf32, #tpu.memory_space<vmem>>, vector<16xf32>,
      tpu.vector_store %arg7[%swap3A_120, %swap3A_121], %broadcast_in_dim3A_3 {strides = array<i32>} : memref<256x64xf32, #tpu.memory_space<vmem>>, vector<16xf32>,
      %add3A_123 = arith.constant 5 : i32
      %add3A_124 = arith.addi %mul3A_13, %add3A_123 : i32
      %swap3A_125 = arith.index_cast %add3A_124 : i32 to index
      %swap3A_126 = arith.constant 32 : index
      %swap3A_127 = tpu.vector_load %arg7[%swap3A_125, %swap3A_126] {strides = array<i32>} : memref<256x64xf32, #tpu.memory_space<vmem>>, vector<16xf32>,
      tpu.vector_store %arg7[%swap3A_125, %swap3A_126], %broadcast_in_dim3A_3 {strides = array<i32>} : memref<256x64xf32, #tpu.memory_space<vmem>>, vector<16xf32>,
      %add3A_128 = arith.constant 5 : i32
      %add3A_129 = arith.addi %mul3A_13, %add3A_128 : i32
      %swap3A_130 = arith.index_cast %add3A_129 : i32 to index
      %swap3A_131 = arith.constant 48 : index
      %swap3A_132 = tpu.vector_load %arg7[%swap3A_130, %swap3A_131] {strides = array<i32>} : memref<256x64xf32, #tpu.memory_space<vmem>>, vector<16xf32>,
      tpu.vector_store %arg7[%swap3A_130, %swap3A_131], %broadcast_in_dim3A_3 {strides = array<i32>} : memref<256x64xf32, #tpu.memory_space<vmem>>, vector<16xf32>,
      %add3A_133 = arith.constant 6 : i32
      %add3A_134 = arith.addi %mul3A_13, %add3A_133 : i32
      %swap3A_135 = arith.index_cast %add3A_134 : i32 to index
      %swap3A_136 = arith.constant 0 : index
      %swap3A_137 = tpu.vector_load %arg7[%swap3A_135, %swap3A_136] {strides = array<i32>} : memref<256x64xf32, #tpu.memory_space<vmem>>, vector<16xf32>,
      tpu.vector_store %arg7[%swap3A_135, %swap3A_136], %broadcast_in_dim3A_3 {strides = array<i32>} : memref<256x64xf32, #tpu.memory_space<vmem>>, vector<16xf32>,
      %add3A_138 = arith.constant 6 : i32
      %add3A_139 = arith.addi %mul3A_13, %add3A_138 : i32
      %swap3A_140 = arith.index_cast %add3A_139 : i32 to index
      %swap3A_141 = arith.constant 16 : index
      %swap3A_142 = tpu.vector_load %arg7[%swap3A_140, %swap3A_141] {strides = array<i32>} : memref<256x64xf32, #tpu.memory_space<vmem>>, vector<16xf32>,
      tpu.vector_store %arg7[%swap3A_140, %swap3A_141], %broadcast_in_dim3A_3 {strides = array<i32>} : memref<256x64xf32, #tpu.memory_space<vmem>>, vector<16xf32>,
      %add3A_143 = arith.constant 6 : i32
      %add3A_144 = arith.addi %mul3A_13, %add3A_143 : i32
      %swap3A_145 = arith.index_cast %add3A_144 : i32 to index
      %swap3A_146 = arith.constant 32 : index
      %swap3A_147 = tpu.vector_load %arg7[%swap3A_145, %swap3A_146] {strides = array<i32>} : memref<256x64xf32, #tpu.memory_space<vmem>>, vector<16xf32>,
      tpu.vector_store %arg7[%swap3A_145, %swap3A_146], %broadcast_in_dim3A_3 {strides = array<i32>} : memref<256x64xf32, #tpu.memory_space<vmem>>, vector<16xf32>,
      %add3A_148 = arith.constant 6 : i32
      %add3A_149 = arith.addi %mul3A_13, %add3A_148 : i32
      %swap3A_150 = arith.index_cast %add3A_149 : i32 to index
      %swap3A_151 = arith.constant 48 : index
      %swap3A_152 = tpu.vector_load %arg7[%swap3A_150, %swap3A_151] {strides = array<i32>} : memref<256x64xf32, #tpu.memory_space<vmem>>, vector<16xf32>,
      tpu.vector_store %arg7[%swap3A_150, %swap3A_151], %broadcast_in_dim3A_3 {strides = array<i32>} : memref<256x64xf32, #tpu.memory_space<vmem>>, vector<16xf32>,
      %add3A_153 = arith.constant 7 : i32
      %add3A_154 = arith.addi %mul3A_13, %add3A_153 : i32
      %swap3A_155 = arith.index_cast %add3A_154 : i32 to index
      %swap3A_156 = arith.constant 0 : index
      %swap3A_157 = tpu.vector_load %arg7[%swap3A_155, %swap3A_156] {strides = array<i32>} : memref<256x64xf32, #tpu.memory_space<vmem>>, vector<16xf32>,
      tpu.vector_store %arg7[%swap3A_155, %swap3A_156], %broadcast_in_dim3A_3 {strides = array<i32>} : memref<256x64xf32, #tpu.memory_space<vmem>>, vector<16xf32>,
      %add3A_158 = arith.constant 7 : i32
      %add3A_159 = arith.addi %mul3A_13, %add3A_158 : i32
      %swap3A_160 = arith.index_cast %add3A_159 : i32 to index
      %swap3A_161 = arith.constant 16 : index
      %swap3A_162 = tpu.vector_load %arg7[%swap3A_160, %swap3A_161] {strides = array<i32>} : memref<256x64xf32, #tpu.memory_space<vmem>>, vector<16xf32>,
      tpu.vector_store %arg7[%swap3A_160, %swap3A_161], %broadcast_in_dim3A_3 {strides = array<i32>} : memref<256x64xf32, #tpu.memory_space<vmem>>, vector<16xf32>,
      %add3A_163 = arith.constant 7 : i32
      %add3A_164 = arith.addi %mul3A_13, %add3A_163 : i32
      %swap3A_165 = arith.index_cast %add3A_164 : i32 to index
      %swap3A_166 = arith.constant 32 : index
      %swap3A_167 = tpu.vector_load %arg7[%swap3A_165, %swap3A_166] {strides = array<i32>} : memref<256x64xf32, #tpu.memory_space<vmem>>, vector<16xf32>,
      tpu.vector_store %arg7[%swap3A_165, %swap3A_166], %broadcast_in_dim3A_3 {strides = array<i32>} : memref<256x64xf32, #tpu.memory_space<vmem>>, vector<16xf32>,
      %add3A_168 = arith.constant 7 : i32
      %add3A_169 = arith.addi %mul3A_13, %add3A_168 : i32
      %swap3A_170 = arith.index_cast %add3A_169 : i32 to index
      %swap3A_171 = arith.constant 48 : index
      %swap3A_172 = tpu.vector_load %arg7[%swap3A_170, %swap3A_171] {strides = array<i32>} : memref<256x64xf32, #tpu.memory_space<vmem>>, vector<16xf32>,
      tpu.vector_store %arg7[%swap3A_170, %swap3A_171], %broadcast_in_dim3A_3 {strides = array<i32>} : memref<256x64xf32, #tpu.memory_space<vmem>>, vector<16xf32>,
      %add3A_173 = arith.constant 8 : i32
      %add3A_174 = arith.addi %mul3A_13, %add3A_173 : i32
      %swap3A_175 = arith.index_cast %add3A_174 : i32 to index
      %swap3A_176 = arith.constant 0 : index
      %swap3A_177 = tpu.vector_load %arg7[%swap3A_175, %swap3A_176] {strides = array<i32>} : memref<256x64xf32, #tpu.memory_space<vmem>>, vector<16xf32>,
      tpu.vector_store %arg7[%swap3A_175, %swap3A_176], %broadcast_in_dim3A_3 {strides = array<i32>} : memref<256x64xf32, #tpu.memory_space<vmem>>, vector<16xf32>,
      %add3A_178 = arith.constant 8 : i32
      %add3A_179 = arith.addi %mul3A_13, %add3A_178 : i32
      %swap3A_180 = arith.index_cast %add3A_179 : i32 to index
      %swap3A_181 = arith.constant 16 : index
      %swap3A_182 = tpu.vector_load %arg7[%swap3A_180, %swap3A_181] {strides = array<i32>} : memref<256x64xf32, #tpu.memory_space<vmem>>, vector<16xf32>,
      tpu.vector_store %arg7[%swap3A_180, %swap3A_181], %broadcast_in_dim3A_3 {strides = array<i32>} : memref<256x64xf32, #tpu.memory_space<vmem>>, vector<16xf32>,
      %add3A_183 = arith.constant 8 : i32
      %add3A_184 = arith.addi %mul3A_13, %add3A_183 : i32
      %swap3A_185 = arith.index_cast %add3A_184 : i32 to index
      %swap3A_186 = arith.constant 32 : index
      %swap3A_187 = tpu.vector_load %arg7[%swap3A_185, %swap3A_186] {strides = array<i32>} : memref<256x64xf32, #tpu.memory_space<vmem>>, vector<16xf32>,
      tpu.vector_store %arg7[%swap3A_185, %swap3A_186], %broadcast_in_dim3A_3 {strides = array<i32>} : memref<256x64xf32, #tpu.memory_space<vmem>>, vector<16xf32>,
      %add3A_188 = arith.constant 8 : i32
      %add3A_189 = arith.addi %mul3A_13, %add3A_188 : i32
      %swap3A_190 = arith.index_cast %add3A_189 : i32 to index
      %swap3A_191 = arith.constant 48 : index
      %swap3A_192 = tpu.vector_load %arg7[%swap3A_190, %swap3A_191] {strides = array<i32>} : memref<256x64xf32, #tpu.memory_space<vmem>>, vector<16xf32>,
      tpu.vector_store %arg7[%swap3A_190, %swap3A_191], %broadcast_in_dim3A_3 {strides = array<i32>} : memref<256x64xf32, #tpu.memory_space<vmem>>, vector<16xf32>,
      %add3A_193 = arith.constant 9 : i32
      %add3A_194 = arith.addi %mul3A_13, %add3A_193 : i32
      %swap3A_195 = arith.index_cast %add3A_194 : i32 to index
      %swap3A_196 = arith.constant 0 : index
      %swap3A_197 = tpu.vector_load %arg7[%swap3A_195, %swap3A_196] {strides = array<i32>} : memref<256x64xf32, #tpu.memory_space<vmem>>, vector<16xf32>,
      tpu.vector_store %arg7[%swap3A_195, %swap3A_196], %broadcast_in_dim3A_3 {strides = array<i32>} : memref<256x64xf32, #tpu.memory_space<vmem>>, vector<16xf32>,
      %add3A_198 = arith.constant 9 : i32
      %add3A_199 = arith.addi %mul3A_13, %add3A_198 : i32
      %swap3A_200 = arith.index_cast %add3A_199 : i32 to index
      %swap3A_201 = arith.constant 16 : index
      %swap3A_202 = tpu.vector_load %arg7[%swap3A_200, %swap3A_201] {strides = array<i32>} : memref<256x64xf32, #tpu.memory_space<vmem>>, vector<16xf32>,
      tpu.vector_store %arg7[%swap3A_200, %swap3A_201], %broadcast_in_dim3A_3 {strides = array<i32>} : memref<256x64xf32, #tpu.memory_space<vmem>>, vector<16xf32>,
      %add3A_203 = arith.constant 9 : i32
      %add3A_204 = arith.addi %mul3A_13, %add3A_203 : i32
      %swap3A_205 = arith.index_cast %add3A_204 : i32 to index
      %swap3A_206 = arith.constant 32 : index
      %swap3A_207 = tpu.vector_load %arg7[%swap3A_205, %swap3A_206] {strides = array<i32>} : memref<256x64xf32, #tpu.memory_space<vmem>>, vector<16xf32>,
      tpu.vector_store %arg7[%swap3A_205, %swap3A_206], %broadcast_in_dim3A_3 {strides = array<i32>} : memref<256x64xf32, #tpu.memory_space<vmem>>, vector<16xf32>,
      %add3A_208 = arith.constant 9 : i32
      %add3A_209 = arith.addi %mul3A_13, %add3A_208 : i32
      %swap3A_210 = arith.index_cast %add3A_209 : i32 to index
      %swap3A_211 = arith.constant 48 : index
      %swap3A_212 = tpu.vector_load %arg7[%swap3A_210, %swap3A_211] {strides = array<i32>} : memref<256x64xf32, #tpu.memory_space<vmem>>, vector<16xf32>,
      tpu.vector_store %arg7[%swap3A_210, %swap3A_211], %broadcast_in_dim3A_3 {strides = array<i32>} : memref<256x64xf32, #tpu.memory_space<vmem>>, vector<16xf32>,
      %add3A_213 = arith.constant 10 : i32
      %add3A_214 = arith.addi %mul3A_13, %add3A_213 : i32
      %swap3A_215 = arith.index_cast %add3A_214 : i32 to index
      %swap3A_216 = arith.constant 0 : index
      %swap3A_217 = tpu.vector_load %arg7[%swap3A_215, %swap3A_216] {strides = array<i32>} : memref<256x64xf32, #tpu.memory_space<vmem>>, vector<16xf32>,
      tpu.vector_store %arg7[%swap3A_215, %swap3A_216], %broadcast_in_dim3A_3 {strides = array<i32>} : memref<256x64xf32, #tpu.memory_space<vmem>>, vector<16xf32>,
      %add3A_218 = arith.constant 10 : i32
      %add3A_219 = arith.addi %mul3A_13, %add3A_218 : i32
      %swap3A_220 = arith.index_cast %add3A_219 : i32 to index
      %swap3A_221 = arith.constant 16 : index
      %swap3A_222 = tpu.vector_load %arg7[%swap3A_220, %swap3A_221] {strides = array<i32>} : memref<256x64xf32, #tpu.memory_space<vmem>>, vector<16xf32>,
      tpu.vector_store %arg7[%swap3A_220, %swap3A_221], %broadcast_in_dim3A_3 {strides = array<i32>} : memref<256x64xf32, #tpu.memory_space<vmem>>, vector<16xf32>,
      %add3A_223 = arith.constant 10 : i32
      %add3A_224 = arith.addi %mul3A_13, %add3A_223 : i32
      %swap3A_225 = arith.index_cast %add3A_224 : i32 to index
      %swap3A_226 = arith.constant 32 : index
      %swap3A_227 = tpu.vector_load %arg7[%swap3A_225, %swap3A_226] {strides = array<i32>} : memref<256x64xf32, #tpu.memory_space<vmem>>, vector<16xf32>,
      tpu.vector_store %arg7[%swap3A_225, %swap3A_226], %broadcast_in_dim3A_3 {strides = array<i32>} : memref<256x64xf32, #tpu.memory_space<vmem>>, vector<16xf32>,
      %add3A_228 = arith.constant 10 : i32
      %add3A_229 = arith.addi %mul3A_13, %add3A_228 : i32
      %swap3A_230 = arith.index_cast %add3A_229 : i32 to index
      %swap3A_231 = arith.constant 48 : index
      %swap3A_232 = tpu.vector_load %arg7[%swap3A_230, %swap3A_231] {strides = array<i32>} : memref<256x64xf32, #tpu.memory_space<vmem>>, vector<16xf32>,
      tpu.vector_store %arg7[%swap3A_230, %swap3A_231], %broadcast_in_dim3A_3 {strides = array<i32>} : memref<256x64xf32, #tpu.memory_space<vmem>>, vector<16xf32>,
      %add3A_233 = arith.constant 11 : i32
      %add3A_234 = arith.addi %mul3A_13, %add3A_233 : i32
      %swap3A_235 = arith.index_cast %add3A_234 : i32 to index
      %swap3A_236 = arith.constant 0 : index
      %swap3A_237 = tpu.vector_load %arg7[%swap3A_235, %swap3A_236] {strides = array<i32>} : memref<256x64xf32, #tpu.memory_space<vmem>>, vector<16xf32>,
      tpu.vector_store %arg7[%swap3A_235, %swap3A_236], %broadcast_in_dim3A_3 {strides = array<i32>} : memref<256x64xf32, #tpu.memory_space<vmem>>, vector<16xf32>,
      %add3A_238 = arith.constant 11 : i32
      %add3A_239 = arith.addi %mul3A_13, %add3A_238 : i32
      %swap3A_240 = arith.index_cast %add3A_239 : i32 to index
      %swap3A_241 = arith.constant 16 : index
      %swap3A_242 = tpu.vector_load %arg7[%swap3A_240, %swap3A_241] {strides = array<i32>} : memref<256x64xf32, #tpu.memory_space<vmem>>, vector<16xf32>,
      tpu.vector_store %arg7[%swap3A_240, %swap3A_241], %broadcast_in_dim3A_3 {strides = array<i32>} : memref<256x64xf32, #tpu.memory_space<vmem>>, vector<16xf32>,
      %add3A_243 = arith.constant 11 : i32
      %add3A_244 = arith.addi %mul3A_13, %add3A_243 : i32
      %swap3A_245 = arith.index_cast %add3A_244 : i32 to index
      %swap3A_246 = arith.constant 32 : index
      %swap3A_247 = tpu.vector_load %arg7[%swap3A_245, %swap3A_246] {strides = array<i32>} : memref<256x64xf32, #tpu.memory_space<vmem>>, vector<16xf32>,
      tpu.vector_store %arg7[%swap3A_245, %swap3A_246], %broadcast_in_dim3A_3 {strides = array<i32>} : memref<256x64xf32, #tpu.memory_space<vmem>>, vector<16xf32>,
      %add3A_248 = arith.constant 11 : i32
      %add3A_249 = arith.addi %mul3A_13, %add3A_248 : i32
      %swap3A_250 = arith.index_cast %add3A_249 : i32 to index
      %swap3A_251 = arith.constant 48 : index
      %swap3A_252 = tpu.vector_load %arg7[%swap3A_250, %swap3A_251] {strides = array<i32>} : memref<256x64xf32, #tpu.memory_space<vmem>>, vector<16xf32>,
      tpu.vector_store %arg7[%swap3A_250, %swap3A_251], %broadcast_in_dim3A_3 {strides = array<i32>} : memref<256x64xf32, #tpu.memory_space<vmem>>, vector<16xf32>,
      %add3A_253 = arith.constant 12 : i32
      %add3A_254 = arith.addi %mul3A_13, %add3A_253 : i32
      %swap3A_255 = arith.index_cast %add3A_254 : i32 to index
      %swap3A_256 = arith.constant 0 : index
      %swap3A_257 = tpu.vector_load %arg7[%swap3A_255, %swap3A_256] {strides = array<i32>} : memref<256x64xf32, #tpu.memory_space<vmem>>, vector<16xf32>,
      tpu.vector_store %arg7[%swap3A_255, %swap3A_256], %broadcast_in_dim3A_3 {strides = array<i32>} : memref<256x64xf32, #tpu.memory_space<vmem>>, vector<16xf32>,
      %add3A_258 = arith.constant 12 : i32
      %add3A_259 = arith.addi %mul3A_13, %add3A_258 : i32
      %swap3A_260 = arith.index_cast %add3A_259 : i32 to index
      %swap3A_261 = arith.constant 16 : index
      %swap3A_262 = tpu.vector_load %arg7[%swap3A_260, %swap3A_261] {strides = array<i32>} : memref<256x64xf32, #tpu.memory_space<vmem>>, vector<16xf32>,
      tpu.vector_store %arg7[%swap3A_260, %swap3A_261], %broadcast_in_dim3A_3 {strides = array<i32>} : memref<256x64xf32, #tpu.memory_space<vmem>>, vector<16xf32>,
      %add3A_263 = arith.constant 12 : i32
      %add3A_264 = arith.addi %mul3A_13, %add3A_263 : i32
      %swap3A_265 = arith.index_cast %add3A_264 : i32 to index
      %swap3A_266 = arith.constant 32 : index
      %swap3A_267 = tpu.vector_load %arg7[%swap3A_265, %swap3A_266] {strides = array<i32>} : memref<256x64xf32, #tpu.memory_space<vmem>>, vector<16xf32>,
      tpu.vector_store %arg7[%swap3A_265, %swap3A_266], %broadcast_in_dim3A_3 {strides = array<i32>} : memref<256x64xf32, #tpu.memory_space<vmem>>, vector<16xf32>,
      %add3A_268 = arith.constant 12 : i32
      %add3A_269 = arith.addi %mul3A_13, %add3A_268 : i32
      %swap3A_270 = arith.index_cast %add3A_269 : i32 to index
      %swap3A_271 = arith.constant 48 : index
      %swap3A_272 = tpu.vector_load %arg7[%swap3A_270, %swap3A_271] {strides = array<i32>} : memref<256x64xf32, #tpu.memory_space<vmem>>, vector<16xf32>,
      tpu.vector_store %arg7[%swap3A_270, %swap3A_271], %broadcast_in_dim3A_3 {strides = array<i32>} : memref<256x64xf32, #tpu.memory_space<vmem>>, vector<16xf32>,
      %add3A_273 = arith.constant 13 : i32
      %add3A_274 = arith.addi %mul3A_13, %add3A_273 : i32
      %swap3A_275 = arith.index_cast %add3A_274 : i32 to index
      %swap3A_276 = arith.constant 0 : index
      %swap3A_277 = tpu.vector_load %arg7[%swap3A_275, %swap3A_276] {strides = array<i32>} : memref<256x64xf32, #tpu.memory_space<vmem>>, vector<16xf32>,
      tpu.vector_store %arg7[%swap3A_275, %swap3A_276], %broadcast_in_dim3A_3 {strides = array<i32>} : memref<256x64xf32, #tpu.memory_space<vmem>>, vector<16xf32>,
      %add3A_278 = arith.constant 13 : i32
      %add3A_279 = arith.addi %mul3A_13, %add3A_278 : i32
      %swap3A_280 = arith.index_cast %add3A_279 : i32 to index
      %swap3A_281 = arith.constant 16 : index
      %swap3A_282 = tpu.vector_load %arg7[%swap3A_280, %swap3A_281] {strides = array<i32>} : memref<256x64xf32, #tpu.memory_space<vmem>>, vector<16xf32>,
      tpu.vector_store %arg7[%swap3A_280, %swap3A_281], %broadcast_in_dim3A_3 {strides = array<i32>} : memref<256x64xf32, #tpu.memory_space<vmem>>, vector<16xf32>,
      %add3A_283 = arith.constant 13 : i32
      %add3A_284 = arith.addi %mul3A_13, %add3A_283 : i32
      %swap3A_285 = arith.index_cast %add3A_284 : i32 to index
      %swap3A_286 = arith.constant 32 : index
      %swap3A_287 = tpu.vector_load %arg7[%swap3A_285, %swap3A_286] {strides = array<i32>} : memref<256x64xf32, #tpu.memory_space<vmem>>, vector<16xf32>,
      tpu.vector_store %arg7[%swap3A_285, %swap3A_286], %broadcast_in_dim3A_3 {strides = array<i32>} : memref<256x64xf32, #tpu.memory_space<vmem>>, vector<16xf32>,
      %add3A_288 = arith.constant 13 : i32
      %add3A_289 = arith.addi %mul3A_13, %add3A_288 : i32
      %swap3A_290 = arith.index_cast %add3A_289 : i32 to index
      %swap3A_291 = arith.constant 48 : index
      %swap3A_292 = tpu.vector_load %arg7[%swap3A_290, %swap3A_291] {strides = array<i32>} : memref<256x64xf32, #tpu.memory_space<vmem>>, vector<16xf32>,
      tpu.vector_store %arg7[%swap3A_290, %swap3A_291], %broadcast_in_dim3A_3 {strides = array<i32>} : memref<256x64xf32, #tpu.memory_space<vmem>>, vector<16xf32>,
      %add3A_293 = arith.constant 14 : i32
      %add3A_294 = arith.addi %mul3A_13, %add3A_293 : i32
      %swap3A_295 = arith.index_cast %add3A_294 : i32 to index
      %swap3A_296 = arith.constant 0 : index
      %swap3A_297 = tpu.vector_load %arg7[%swap3A_295, %swap3A_296] {strides = array<i32>} : memref<256x64xf32, #tpu.memory_space<vmem>>, vector<16xf32>,
      tpu.vector_store %arg7[%swap3A_295, %swap3A_296], %broadcast_in_dim3A_3 {strides = array<i32>} : memref<256x64xf32, #tpu.memory_space<vmem>>, vector<16xf32>,
      %add3A_298 = arith.constant 14 : i32
      %add3A_299 = arith.addi %mul3A_13, %add3A_298 : i32
      %swap3A_300 = arith.index_cast %add3A_299 : i32 to index
      %swap3A_301 = arith.constant 16 : index
      %swap3A_302 = tpu.vector_load %arg7[%swap3A_300, %swap3A_301] {strides = array<i32>} : memref<256x64xf32, #tpu.memory_space<vmem>>, vector<16xf32>,
      tpu.vector_store %arg7[%swap3A_300, %swap3A_301], %broadcast_in_dim3A_3 {strides = array<i32>} : memref<256x64xf32, #tpu.memory_space<vmem>>, vector<16xf32>,
      %add3A_303 = arith.constant 14 : i32
      %add3A_304 = arith.addi %mul3A_13, %add3A_303 : i32
      %swap3A_305 = arith.index_cast %add3A_304 : i32 to index
      %swap3A_306 = arith.constant 32 : index
      %swap3A_307 = tpu.vector_load %arg7[%swap3A_305, %swap3A_306] {strides = array<i32>} : memref<256x64xf32, #tpu.memory_space<vmem>>, vector<16xf32>,
      tpu.vector_store %arg7[%swap3A_305, %swap3A_306], %broadcast_in_dim3A_3 {strides = array<i32>} : memref<256x64xf32, #tpu.memory_space<vmem>>, vector<16xf32>,
      %add3A_308 = arith.constant 14 : i32
      %add3A_309 = arith.addi %mul3A_13, %add3A_308 : i32
      %swap3A_310 = arith.index_cast %add3A_309 : i32 to index
      %swap3A_311 = arith.constant 48 : index
      %swap3A_312 = tpu.vector_load %arg7[%swap3A_310, %swap3A_311] {strides = array<i32>} : memref<256x64xf32, #tpu.memory_space<vmem>>, vector<16xf32>,
      tpu.vector_store %arg7[%swap3A_310, %swap3A_311], %broadcast_in_dim3A_3 {strides = array<i32>} : memref<256x64xf32, #tpu.memory_space<vmem>>, vector<16xf32>,
      %add3A_313 = arith.constant 15 : i32
      %add3A_314 = arith.addi %mul3A_13, %add3A_313 : i32
      %swap3A_315 = arith.index_cast %add3A_314 : i32 to index
      %swap3A_316 = arith.constant 0 : index
      %swap3A_317 = tpu.vector_load %arg7[%swap3A_315, %swap3A_316] {strides = array<i32>} : memref<256x64xf32, #tpu.memory_space<vmem>>, vector<16xf32>,
      tpu.vector_store %arg7[%swap3A_315, %swap3A_316], %broadcast_in_dim3A_3 {strides = array<i32>} : memref<256x64xf32, #tpu.memory_space<vmem>>, vector<16xf32>,
      %add3A_318 = arith.constant 15 : i32
      %add3A_319 = arith.addi %mul3A_13, %add3A_318 : i32
      %swap3A_320 = arith.index_cast %add3A_319 : i32 to index
      %swap3A_321 = arith.constant 16 : index
      %swap3A_322 = tpu.vector_load %arg7[%swap3A_320, %swap3A_321] {strides = array<i32>} : memref<256x64xf32, #tpu.memory_space<vmem>>, vector<16xf32>,
      tpu.vector_store %arg7[%swap3A_320, %swap3A_321], %broadcast_in_dim3A_3 {strides = array<i32>} : memref<256x64xf32, #tpu.memory_space<vmem>>, vector<16xf32>,
      %add3A_323 = arith.constant 15 : i32
      %add3A_324 = arith.addi %mul3A_13, %add3A_323 : i32
      %swap3A_325 = arith.index_cast %add3A_324 : i32 to index
      %swap3A_326 = arith.constant 32 : index
      %swap3A_327 = tpu.vector_load %arg7[%swap3A_325, %swap3A_326] {strides = array<i32>} : memref<256x64xf32, #tpu.memory_space<vmem>>, vector<16xf32>,
      tpu.vector_store %arg7[%swap3A_325, %swap3A_326], %broadcast_in_dim3A_3 {strides = array<i32>} : memref<256x64xf32, #tpu.memory_space<vmem>>, vector<16xf32>,
      %add3A_328 = arith.constant 15 : i32
      %add3A_329 = arith.addi %mul3A_13, %add3A_328 : i32
      %swap3A_330 = arith.index_cast %add3A_329 : i32 to index
      %swap3A_331 = arith.constant 48 : index
      %swap3A_332 = tpu.vector_load %arg7[%swap3A_330, %swap3A_331] {strides = array<i32>} : memref<256x64xf32, #tpu.memory_space<vmem>>, vector<16xf32>,
      tpu.vector_store %arg7[%swap3A_330, %swap3A_331], %broadcast_in_dim3A_3 {strides = array<i32>} : memref<256x64xf32, #tpu.memory_space<vmem>>, vector<16xf32>,
      %add3A_333 = vector.broadcast %mul3A_13 : i32 to vector<16xi32>
      %add3A_334 = arith.addi %add3A_333, %iota3A : vector<16xi32>
      %gather3A = tpu.vector_load_idx %arg5[%add3A_334, %broadcast_in_dim3A_5] : memref<256x2xf32, #tpu.memory_space<vmem>>[vector<16xi32>, vector<16xi32>], vector<16xf32>,
      %add3A_335 = arith.constant 1 : i32
      %add3A_336 = vector.broadcast %add3A_335 : i32 to vector<16xi32>
      %add3A_337 = arith.addi %broadcast_in_dim3A_5, %add3A_336 : vector<16xi32>
      %gather3A_338 = tpu.vector_load_idx %arg5[%add3A_334, %add3A_337] : memref<256x2xf32, #tpu.memory_space<vmem>>[vector<16xi32>, vector<16xi32>], vector<16xf32>,
      %gather3A_339 = tpu.vector_load_idx %arg6[%add3A_334, %broadcast_in_dim3A_5] : memref<256x2xi32, #tpu.memory_space<vmem>>[vector<16xi32>, vector<16xi32>], vector<16xi32>,
      %add3A_340 = arith.constant 1 : i32
      %add3A_341 = vector.broadcast %add3A_340 : i32 to vector<16xi32>
      %add3A_342 = arith.addi %broadcast_in_dim3A_5, %add3A_341 : vector<16xi32>
      %gather3A_343 = tpu.vector_load_idx %arg6[%add3A_334, %add3A_342] : memref<256x2xi32, #tpu.memory_space<vmem>>[vector<16xi32>, vector<16xi32>], vector<16xi32>,
      tpu.vector_store_idx %arg7[%add3A_334, %gather3A_339], %gather3A : memref<256x64xf32, #tpu.memory_space<vmem>>[vector<16xi32>, vector<16xi32>], vector<16xf32>,
      tpu.vector_store_idx %arg7[%add3A_334, %gather3A_343], %gather3A_338 : memref<256x64xf32, #tpu.memory_space<vmem>>[vector<16xi32>, vector<16xi32>], vector<16xf32>,
    }
    %scan3A_10 = arith.constant 16 : i32
    "tpu.region"() ({
      %run_scoped3A = tpu.sem_alloc : memref<!tpu.dma_semaphore, #tpu.memory_space<semaphore_mem>>
      %dma_start3A = arith.constant 0 : i32
      %dma_start3A_11 = tpu.memref_slice %arg4[%mul3A_2, %dma_start3A] : memref<8192x64xf32, #tpu.memory_space<hbm>> -> memref<256x64xf32, #tpu.memory_space<hbm>>
      %dma_start3A_12 = arith.constant 0 : i32
      %dma_start3A_13 = tpu.memref_slice %arg4[%mul3A_2, %dma_start3A_12] : memref<8192x64xf32, #tpu.memory_space<hbm>> -> memref<256x64xf32, #tpu.memory_space<hbm>>
      tpu.enqueue_dma source(%arg7 : memref<256x64xf32, #tpu.memory_space<vmem>>) target(%dma_start3A_13 : memref<256x64xf32, #tpu.memory_space<hbm>>) target_semaphore(%run_scoped3A : memref<!tpu.dma_semaphore, #tpu.memory_space<semaphore_mem>>)
      %dma_wait3A = arith.constant 0 : i32
      %dma_wait3A_14 = tpu.memref_slice %arg4[%mul3A_2, %dma_wait3A] : memref<8192x64xf32, #tpu.memory_space<hbm>> -> memref<256x64xf32, #tpu.memory_space<hbm>>
      %dma_wait3A_15 = arith.constant 0 : i32
      %dma_wait3A_16 = tpu.memref_slice %arg4[%mul3A_2, %dma_wait3A_15] : memref<8192x64xf32, #tpu.memory_space<hbm>> -> memref<256x64xf32, #tpu.memory_space<hbm>>
      tpu.wait_dma2 semaphore(%run_scoped3A : memref<!tpu.dma_semaphore, #tpu.memory_space<semaphore_mem>>) src(%arg7 : memref<256x64xf32, #tpu.memory_space<vmem>>) dst(%dma_wait3A_16 : memref<256x64xf32, #tpu.memory_space<hbm>>)
      tpu.yield
    }) : () -> ()
    return
  }
}

module attributes {stable_mosaic.version = 14 : i64} {
  func.func @_tc_topk_block(%arg0: i32, %arg1: memref<1024x2048xf32, #tpu.memory_space<vmem>>, %arg2: memref<64x2048xf32, #tpu.memory_space<vmem>>, %arg3: memref<1x64xf32, #tpu.memory_space<vmem>>, %arg4: memref<1024x2xf32, #tpu.memory_space<vmem>>, %arg5: memref<1024x2xi32, #tpu.memory_space<vmem>>) attributes {dimension_semantics = [#tpu.dimension_semantics<arbitrary>], iteration_bounds = array<i64: 8>, scalar_prefetch = 0 : i64, scratch_operands = 0 : i64, tpu.core_type = #tpu.core_type<tc>, window_params = [{transform_indices = @transform_0, window_bounds = array<i64: 1024, 2048>}, {pipeline_mode = #tpu.pipeline_mode<synchronous>, transform_indices = @transform_1, window_bounds = array<i64: 64, 2048>}, {pipeline_mode = #tpu.pipeline_mode<synchronous>, transform_indices = @transform_2, window_bounds = array<i64: 1, 64>}, {transform_indices = @transform_3, window_bounds = array<i64: 1024, 2>}, {transform_indices = @transform_4, window_bounds = array<i64: 1024, 2>}]} {
    %get3A = arith.constant 0 : index
    %get3A_0 = arith.constant 0 : index
    %get3A_1 = vector.load %arg1[%get3A, %get3A_0] : memref<1024x2048xf32, #tpu.memory_space<vmem>>, vector<1024x2048xf32>
    %get3A_2 = arith.constant 0 : index
    %get3A_3 = arith.constant 0 : index
    %get3A_4 = vector.load %arg2[%get3A_2, %get3A_3] : memref<64x2048xf32, #tpu.memory_space<vmem>>, vector<64x2048xf32>
    %dot_general3A = arith.constant dense<0.000000e+00> : vector<1024x64xf32>
    %dot_general3A_5 = tpu.matmul %get3A_1, %get3A_4, %dot_general3A {dimension_numbers = #tpu.dot_dimension_numbers<[1], [1], [0], [0], [0, 0, 1, 0], [], []>, transpose_lhs_hint = false} : vector<1024x2048xf32>, vector<64x2048xf32>, vector<1024x64xf32> -> vector<1024x64xf32>
    %get3A_6 = arith.constant 0 : index
    %get3A_7 = arith.constant 0 : index
    %get3A_8 = vector.load %arg3[%get3A_6, %get3A_7] : memref<1x64xf32, #tpu.memory_space<vmem>>, vector<1x64xf32>
    %add3A = vector.broadcast %get3A_8 : vector<1x64xf32> to vector<1024x64xf32>
    %add3A_9 = arith.addf %dot_general3A_5, %add3A : vector<1024x64xf32>
    %iota3A = tpu.iota {dimensions = array<i32: 1>} : vector<1024x64xi32>
    %reduce_max3A = arith.constant dense<0xFF800000> : vector<1024xf32>
    %reduce_max3A_10 = vector.multi_reduction <maximumf>, %add3A_9, %reduce_max3A [1] : vector<1024x64xf32> to vector<1024xf32>
    %broadcast_in_dim3A = vector.shape_cast %reduce_max3A_10 : vector<1024xf32> to vector<1024x1xf32>
    %eq3A = vector.broadcast %broadcast_in_dim3A : vector<1024x1xf32> to vector<1024x64xf32>
    %eq3A_11 = arith.cmpf oeq, %add3A_9, %eq3A : vector<1024x64xf32>
    %jit3A = arith.constant 64 : i32
    %broadcast_in_dim3A_12 = vector.broadcast %jit3A : i32 to vector<1024x64xi32>
    %select_n3A = arith.select %eq3A_11, %iota3A, %broadcast_in_dim3A_12 : vector<1024x64xi1>, vector<1024x64xi32>
    %reduce_min3A = arith.constant dense<2147483647> : vector<1024xi32>
    %reduce_min3A_13 = vector.multi_reduction <minsi>, %select_n3A, %reduce_min3A [1] : vector<1024x64xi32> to vector<1024xi32>
    %broadcast_in_dim3A_14 = vector.shape_cast %reduce_min3A_13 : vector<1024xi32> to vector<1024x1xi32>
    %eq3A_15 = vector.broadcast %broadcast_in_dim3A_14 : vector<1024x1xi32> to vector<1024x64xi32>
    %eq3A_16 = arith.cmpi eq, %iota3A, %eq3A_15 : vector<1024x64xi32>
    %jit3A_17 = arith.constant 0xFF800000 : f32
    %broadcast_in_dim3A_18 = vector.broadcast %jit3A_17 : f32 to vector<1024x64xf32>
    %select_n3A_19 = arith.select %eq3A_16, %broadcast_in_dim3A_18, %add3A_9 : vector<1024x64xi1>, vector<1024x64xf32>
    %reduce_max3A_20 = arith.constant dense<0xFF800000> : vector<1024xf32>
    %reduce_max3A_21 = vector.multi_reduction <maximumf>, %select_n3A_19, %reduce_max3A_20 [1] : vector<1024x64xf32> to vector<1024xf32>
    %broadcast_in_dim3A_22 = vector.shape_cast %reduce_max3A_21 : vector<1024xf32> to vector<1024x1xf32>
    %eq3A_23 = vector.broadcast %broadcast_in_dim3A_22 : vector<1024x1xf32> to vector<1024x64xf32>
    %eq3A_24 = arith.cmpf oeq, %select_n3A_19, %eq3A_23 : vector<1024x64xf32>
    %jit3A_25 = arith.constant 64 : i32
    %broadcast_in_dim3A_26 = vector.broadcast %jit3A_25 : i32 to vector<1024x64xi32>
    %select_n3A_27 = arith.select %eq3A_24, %iota3A, %broadcast_in_dim3A_26 : vector<1024x64xi1>, vector<1024x64xi32>
    %reduce_min3A_28 = arith.constant dense<2147483647> : vector<1024xi32>
    %reduce_min3A_29 = vector.multi_reduction <minsi>, %select_n3A_27, %reduce_min3A_28 [1] : vector<1024x64xi32> to vector<1024xi32>
    %broadcast_in_dim3A_30 = vector.shape_cast %reduce_min3A_29 : vector<1024xi32> to vector<1024x1xi32>
    %sub3A = arith.subf %broadcast_in_dim3A_22, %broadcast_in_dim3A : vector<1024x1xf32>
    %exp3A = math.exp %sub3A : vector<1024x1xf32>
    %add3A_31 = arith.constant 1.000000e+00 : f32
    %add3A_32 = vector.broadcast %add3A_31 : f32 to vector<1024x1xf32>
    %add3A_33 = arith.addf %add3A_32, %exp3A : vector<1024x1xf32>
    %div3A = arith.constant 1.000000e+00 : f32
    %div3A_34 = vector.broadcast %div3A : f32 to vector<1024x1xf32>
    %div3A_35 = arith.divf %div3A_34, %add3A_33 : vector<1024x1xf32>
    %mul3A = arith.mulf %exp3A, %div3A_35 : vector<1024x1xf32>
    %concatenate3A = tpu.concatenate %div3A_35, %mul3A in 1 : vector<1024x1xf32>, vector<1024x1xf32> -> vector<1024x2xf32>
    %swap3A = arith.constant 0 : index
    %swap3A_36 = arith.constant 0 : index
    %swap3A_37 = vector.load %arg4[%swap3A, %swap3A_36] : memref<1024x2xf32, #tpu.memory_space<vmem>>, vector<1024x2xf32>
    tpu.vector_store %arg4[%swap3A, %swap3A_36], %concatenate3A {strides = array<i32>} : memref<1024x2xf32, #tpu.memory_space<vmem>>, vector<1024x2xf32>,
    %concatenate3A_38 = tpu.concatenate %broadcast_in_dim3A_14, %broadcast_in_dim3A_30 in 1 : vector<1024x1xi32>, vector<1024x1xi32> -> vector<1024x2xi32>
    %swap3A_39 = arith.constant 0 : index
    %swap3A_40 = arith.constant 0 : index
    %swap3A_41 = vector.load %arg5[%swap3A_39, %swap3A_40] : memref<1024x2xi32, #tpu.memory_space<vmem>>, vector<1024x2xi32>
    tpu.vector_store %arg5[%swap3A_39, %swap3A_40], %concatenate3A_38 {strides = array<i32>} : memref<1024x2xi32, #tpu.memory_space<vmem>>, vector<1024x2xi32>,
    return
  }
  func.func @transform_0(%arg0: i32) -> (i32, i32) {
    %c0_i32 = arith.constant 0 : i32
    %c0_i32_0 = arith.constant 0 : i32
    return %arg0, %c0_i32 : i32, i32
  }
  func.func @transform_1(%arg0: i32) -> (i32, i32) {
    %c0_i32 = arith.constant 0 : i32
    %c0_i32_0 = arith.constant 0 : i32
    %c0_i32_1 = arith.constant 0 : i32
    return %c0_i32, %c0_i32_0 : i32, i32
  }
  func.func @transform_2(%arg0: i32) -> (i32, i32) {
    %c0_i32 = arith.constant 0 : i32
    %c0_i32_0 = arith.constant 0 : i32
    %c0_i32_1 = arith.constant 0 : i32
    return %c0_i32, %c0_i32_0 : i32, i32
  }
  func.func @transform_3(%arg0: i32) -> (i32, i32) {
    %c0_i32 = arith.constant 0 : i32
    %c0_i32_0 = arith.constant 0 : i32
    return %arg0, %c0_i32 : i32, i32
  }
  func.func @transform_4(%arg0: i32) -> (i32, i32) {
    %c0_i32 = arith.constant 0 : i32
    %c0_i32_0 = arith.constant 0 : i32
    return %arg0, %c0_i32 : i32, i32
  }
}

</mosaic_0001>

<sc_bundles>
// kernel: kernel.4.cloned.1.call-start
scs
__scs_entry_jumppad:
0x0: {  	(pc) =	sbr.rel $0x88, $3  }
0x1: {  	(tag) =	ssettag $0x0;
	lr =	simm.s32 $0x1  }
0x2: {  	[smem:$0x3F9E] =	sst lr;
	_ =	strace $0xD0000000  }
0x3: {  	_ = 	snop  }
0x4: {  	_ = 	snop  }
0x5: {  	_ = 	snop  }
0x6: {  	_ = 	snop  }
0x7: {  	_ = 	snop  }
__scs_overlays_trampoline_lowered:
0x8: {  	[smem:$0x3FAD] =	sst s0  }
0x9: {  	[smem:$0x3FAE] =	sst s1  }
0xa: {  	[smem:$0x3FAF] =	sst s2  }
0xb: {  	[smem:$0x3FB0] =	sst s3  }
0xc: {  	[smem:$0x3FB1] =	sst s4  }
0xd: {  	[smem:$0x3FB2] =	sst s5  }
0xe: {  	[smem:$0x3FB3] =	sst s6  }
0xf: {  	[smem:$0x3FB4] =	sst s7  }
0x10: {  	[smem:$0x3FB5] =	sst s8  }
0x11: {  	[smem:$0x3FB6] =	sst s9;
	s0 =	simm.s32 @!p0 $0x0  }
0x12: {  	s1 =	sld [smem:$0x3F9C];
	s0 =	simm.s32 @p0 $0x1  }
0x13: {  	[smem:$0x3FB7] =	sst s0;
	s0 =	simm.s32 @!p1 $0x0  }
0x14: {  	s2 =	sld [smem:$0x3F9B];
	s0 =	simm.s32 @p1 $0x1  }
0x15: {  	[smem:$0x3FB8] =	sst s0;
	s0 =	simm.s32 @!p2 $0x0  }
0x16: {  	s3 =	sld [smem:$0x3FDB];
	s0 =	simm.s32 @p2 $0x1  }
0x17: {  	s4 =	simm.s32 $0x1BF5;
	[smem:$0x3FBA] =	sst s0  }
0x18: {  	s0 =	sld [smem:$0x3F9D];
	_ =	swait.ge [sflag:s4], $0x0  }
0x19: {  	s7 =	sld [smem:$0x3F9E]  }
0x1a: {  	s8 =	sadd.s32 $0xFFFFE003, lr  }
0x1b: {  	s9 =	sadd.s32 $0xFFFFFEF7, lr;
	s5 =	simm.s32 $0xFFFFFFFF;
	p2 =	slt.u32 s8, $0xFFFFF086  }
0x1c: {  	p1 =	slt.u32 s9, $0xF7A;
	s5 =	simm.s32 @!p2 $0x0  }
0x1d: {  	s5 =	simm.s32 @p1 $0x1;
	p0 =	seq.s32 s7, s2  }
0x1e: {  	s7 =	smul.u32 @!p0 $0xF7A, s2;
	p2 =	seq.s32 @!p0 s5, $0x0  }
0x1f: {  	s9 =	smul.u32 $0xF7A, s1;
	s8 =	simm.s32 @!p0 $0x1BF5;
	p2 =	por !p2, p0  }
0x20: {  	[sflag:s8] =	ssyncset.s32 @!p0 $0xFFFFF086;
	s6 =	sadd.s32 @!p0 s3, s7;
	s7 =	simm.s32 @!p0 $0x108  }
0x21: {  	s3 =	sadd.s32 s3, s9;
	s6 =	sadd.s32 @!p0 $0x88, s6;
	s7 =	simm.s32 @p2 $0x1082  }
0x22: {  	[simem:s7], [sflag:s8] =	dma.local @!p0 [hbm:s6], $0xF7A  }
0x23: {  	s9 =	sor.u32 $0xD0000000, s2;
	s6 =	simm.s32 $0x108;
	_ =	swait.ge @!p0 [sflag:s8], $0x0  }
0x24: {  	s3 =	sadd.s32 $0x88, s3;
	s6 =	simm.s32 @!p1 $0x1082;
	[sflag:s4] =	ssyncset.s32 $0xFFFFF086  }
0x25: {  	[simem:s6], [sflag:s4] =	dma.local [hbm:s3], $0xF7A  }
0x26: {  	[smem:$0x3F9E] =	sst s1;
	(tag) =	ssettag s2;
	_ =	strace s9  }
0x27: {  	s1 =	sld [smem:$0x3FAE]  }
0x28: {  	s2 =	sld [smem:$0x3FAF]  }
0x29: {  	s4 =	sld [smem:$0x3FB1]  }
0x2a: {  	p0 =	seq.s32 s5, $0x0;
	s5 =	sld [smem:$0x3FB2]  }
0x2b: {  	s6 =	sld [smem:$0x3FB3]  }
0x2c: {  	s7 =	sld [smem:$0x3FB4]  }
0x2d: {  	s3 =	simm.s32 $0x108;
	s8 =	sld [smem:$0x3FB5]  }
0x2e: {  	s3 =	simm.s32 @!p0 $0x1082;
	s9 =	sld [smem:$0x3FB6]  }
0x2f: {  	lr =	sadd.s32 s0, s3;
	s0 =	sld [smem:$0x3FAD]  }
0x30: {  	s3 =	sld [smem:$0x3FB0]  }
0x31: {  	[smem:$0x3FB9] =	sst s10  }
0x32: {  	s10 =	sld [smem:$0x3FB7];
	_ =	sdelay $0x3  }
0x33: {  	p0 =	seq.s32 s10, $0x1;
	s10 =	sld [smem:$0x3FB9];
	_ =	sdelay $0x3  }
0x34: {  	[smem:$0x3FB9] =	sst s10  }
0x35: {  	s10 =	sld [smem:$0x3FB8];
	_ =	sdelay $0x3  }
0x36: {  	p1 =	seq.s32 s10, $0x1;
	s10 =	sld [smem:$0x3FB9];
	_ =	sdelay $0x3  }
0x37: {  	[smem:$0x3FB9] =	sst s10  }
0x38: {  	s10 =	sld [smem:$0x3FBA]  }
0x39: {  	_ = 	snop;
	(pc) =	sbr.ind lr, $3  }
0x3a: {  	_ = 	snop  }
0x3b: {  	_ = 	snop  }
0x3c: {  	p2 =	seq.s32 s10, $0x1;
	s10 =	sld [smem:$0x3FB9]  }
0x3d: {  	_ =	shalt  }
0x3e: {  	_ =	shalt  }
0x3f: {  	_ =	shalt  }
0x40: {  	_ =	shalt  }
0x41: {  	_ =	shalt  }
0x42: {  	_ =	shalt  }
0x43: {  	_ =	shalt  }
0x44: {  	_ =	shalt  }
0x45: {  	_ =	shalt  }
0x46: {  	_ =	shalt  }
0x47: {  	_ =	shalt  }
0x48: {  	_ =	shalt  }
0x49: {  	_ =	shalt  }
0x4a: {  	_ =	shalt  }
0x4b: {  	_ =	shalt  }
0x4c: {  	_ =	shalt  }
0x4d: {  	_ =	shalt  }
0x4e: {  	_ =	shalt  }
0x4f: {  	_ =	shalt  }
0x50: {  	_ =	shalt  }
0x51: {  	_ =	shalt  }
0x52: {  	_ =	shalt  }
0x53: {  	_ =	shalt  }
0x54: {  	_ =	shalt  }
0x55: {  	_ =	shalt  }
0x56: {  	_ =	shalt  }
0x57: {  	_ =	shalt  }
0x58: {  	_ =	shalt  }
0x59: {  	_ =	shalt  }
0x5a: {  	_ =	shalt  }
0x5b: {  	_ =	shalt  }
0x5c: {  	_ =	shalt  }
0x5d: {  	_ =	shalt  }
0x5e: {  	_ =	shalt  }
0x5f: {  	_ =	shalt  }
0x60: {  	_ =	shalt  }
0x61: {  	_ =	shalt  }
0x62: {  	_ =	shalt  }
0x63: {  	_ =	shalt  }
0x64: {  	_ =	shalt  }
0x65: {  	_ =	shalt  }
0x66: {  	_ =	shalt  }
0x67: {  	_ =	shalt  }
0x68: {  	_ =	shalt  }
0x69: {  	_ =	shalt  }
0x6a: {  	_ =	shalt  }
0x6b: {  	_ =	shalt  }
0x6c: {  	_ =	shalt  }
0x6d: {  	_ =	shalt  }
0x6e: {  	_ =	shalt  }
0x6f: {  	_ =	shalt  }
0x70: {  	_ =	shalt  }
0x71: {  	_ =	shalt  }
0x72: {  	_ =	shalt  }
0x73: {  	_ =	shalt  }
0x74: {  	_ =	shalt  }
0x75: {  	_ =	shalt  }
0x76: {  	_ =	shalt  }
0x77: {  	_ =	shalt  }
0x78: {  	_ =	shalt  }
0x79: {  	_ =	shalt  }
0x7a: {  	_ =	shalt  }
0x7b: {  	_ =	shalt  }
0x7c: {  	_ =	shalt  }
0x7d: {  	_ =	shalt  }
0x7e: {  	_ =	shalt  }
0x7f: {  	_ =	shalt  }
0x80: {  	_ =	shalt  }
0x81: {  	_ =	shalt  }
0x82: {  	_ =	shalt  }
0x83: {  	_ =	shalt  }
0x84: {  	_ =	shalt  }
0x85: {  	_ =	shalt  }
0x86: {  	_ =	shalt  }
0x87: {  	_ =	shalt  }
.Lfunc_end0:
.L_simem_size_0:
called_computation_lowered:
.L_overlay_start_0:
0x88: {  	s2 =	sld [smem:$0x3FD9]  }
0x89: {  	s3 =	sld [smem:$0x3FFE];
	_ =	sdelay $0x1  }
0x8a: {  	s1 =	srdreg.scid  }
0x8b: {  	s0 =	sand.u32 $0x1, s1  }
0x8c: {  	s14 =	sshll.u32 s0, $0xA;
	s2 =	sadd.s32 s3, s2  }
0x8d: {  	s2 =	sadd.s32 s2, s14  }
0x8e: {  	[smem:$0x3FC5] =	sst s2  }
0x8f: {  	_ = 	snop  }
0x90: {  	s2 =	sld [smem:$0x3FD0];
	_ =	sdelay $0x2  }
0x91: {  	s15 =	simm.s32 $0xA;
	s4 =	simm.s32 $0x10  }
0x92: {  	[smem:s4], [sflag:s15] =	dma.local [hbm:s2], $0x1  }
0x93: {  	_ =	swait.eq [sflag:s15], $0x1  }
0x94: {  	[sflag:s15] =	ssyncset.done $0x0  }
0x95: {  	[sflag:s15] =	ssyncadd.s32 $0xFFFFFFFF  }
0x96: {  	s16 =	sld [smem:$0x10];
	(tm) =	ssettm $0x1  }
0x97: {  	s17 =	sld [smem:$0x3FFB];
	_ =	sdelay $0x3  }
0x98: {  	_ =	strace s17  }
0x99: {  	s3 =	sld [smem:$0x3FFC];
	_ =	sdelay $0x3  }
0x9a: {  	_ =	strace s3  }
0x9b: {  	s3 =	sld [smem:$0x3FFD];
	_ =	sdelay $0x3  }
0x9c: {  	_ =	strace s3  }
0x9d: {  	_ =	strace $0x8FFFFFFF  }
0x9e: {  	s18 =	sld [smem:$0x3FDB];
	_ =	sdelay $0x1  }
0x9f: {  	s19 =	simm.s32 $_scs_section_size  }
0xa0: {  	s5 =	simm.s32 $_size__tile_overlayer_lowered;
	s6 =	simm.s32 $_tile_overlayer_lowered  }
0xa1: {  	s22 =	simm.s32 $0x1BFF;
	s21 =	sshll.u32 s6, $0x1;
	s3 =	sadd.s32 s19, s18  }
0xa2: {  	s7 =	simm.s32 $0x0;
	s20 =	sshll.u32 s5, $0x1;
	s5 =	sadd.s32 s21, s3  }
0xa3: {  	[timem:s7], [sflag:s22] =	dma.local [hbm:s5], s20  }
0xa4: {  	_ =	swait.ge [sflag:s22], s20  }
0xa5: {  	s4 =	ssub.s32 $0x0, s20;
	[sflag:s22] =	ssyncset.done $0x0  }
0xa6: {  	[sflag:s22] =	ssyncadd.s32 s4;
	_ =	sdelay $0x1  }
0xa7: {  	s23 =	simm.s32 $0x1B8B  }
0xa8: {  	_ =	swait.ge [sflag:s23], $0x1  }
0xa9: {  	[sflag:s23] =	ssyncset.done $0x0  }
0xaa: {  	s25 =	simm.s32 $0x1B8E;
	s24 =	sld [smem:$0x3FFE];
	[sflag:s23] =	ssyncadd.s32 $0xFFFFFFFF  }
0xab: {  	s26 =	simm.s32 $execute0_lowered;
	[smem:$0x3FD2] =	sst s25  }
0xac: {  	s5 =	sshll.u32 s26, $0x1;
	_ =	strace $0x80000046;
	[dreg:$0x1] =	wrdreg $0xFFFFFFFF  }
0xad: {  	s28 =	simm.s32 $_size_execute0_lowered;
	s3 =	sadd.s32 s3, s5;
	[dreg:$0x0] =	wrdreg $0x0  }
0xae: {  	s5 =	sshll.u32 s28, $0x1;
	[dreg:$0x2] =	wrdreg s3  }
0xaf: {  	[dreg:$0x3] =	wrdreg s5  }
0xb0: {  	[dreg:$0x4] =	wrdreg $0xC0  }
0xb1: {  	_ =	task [dreg:s7], $0x5FFFF  }
0xb2: {  	[dreg:$0x1] =	wrdreg $0xFFFFFFFF  }
0xb3: {  	[dreg:$0x0] =	wrdreg $0x60  }
0xb4: {  	[dreg:$0x2] =	wrdreg s24  }
0xb5: {  	[dreg:$0x3] =	wrdreg s16  }
0xb6: {  	[dreg:$0x4] =	wrdreg $0x9  }
0xb7: {  	_ =	task.clear_ibuf [dreg:s7], $0x5FFFF;
	_ =	strace $0x90000046  }
0xb8: {  	s29 =	simm.s32 $0x9;
	_ =	strace $0x80000048  }
0xb9: {  	_ =	swait.ge [sflag:s29], $0x1  }
0xba: {  	[sflag:s29] =	ssyncadd.s32 $0xFFFFFFFF  }
0xbb: {  	_ =	strace $0x90000048  }
0xbc: {  	_ =	sfence  }
0xbd: {  	s30 =	sld [smem:$0x0];
	_ =	sdelay $0x2  }
0xbe: {  	s31 =	sshll.u32 s1, $0xD;
	s1 =	sshrl.u32 s1, $0x2  }
0xbf: {  	s3 =	sand.u32 $0x4000, s31;
	s1 =	sadd.s32 s1, s30  }
0xc0: {  	s0 =	sor.u32 s3, s0;
	s1 =	sshll.u32 s1, $0x11  }
0xc1: {  	s0 =	sor.u32 s1, s0  }
0xc2: {  	s0 =	sadd.s32 $0x8F2B, s0  }
0xc3: {  	[sflag:s0] =	ssyncadd.remote.s32 $0x1  }
0xc4: {  	_ =	sfence.sel $0xFFFF  }
0xc5: {  	[dreg:$0x0] =	wrdreg $0xFFFFFFFF;
	(pc) =	sbr.abs _section_cstart, $3  }
0xc6: {  	[dreg:$0x1] =	wrdreg $0xFFFFFFFF  }
0xc7: {  	_ =	task.clear_ibuf [dreg:s7], $0x2FFFF;
	_ =	strace $0x9FFFFFFF  }
0xc8: {  	(tm) =	ssettm $0x7FFFFFFF  }
0xc9: {  	_ =	shalt  }
tec
execute0_lowered:
.L_overlay_start_1:
0x0: {  	(tag) =	ssettag $0x1  }
0x1: {  	s3 =	rddreg [dreg:$0x0]  }
0x2: {  	s5 =	rddreg [dreg:$0x1]  }
0x3: {  	s0 =	rddreg [dreg:$0x2];
	s4 =	srdreg.scid  }
0x4: {  	s2 =	simm.s32 $0x0;
	s1 =	stileid.u32;
	s9 =	simm.s32 $0x1000  }
0x5: {  	s10 =	simm.s32 $0x0;
	s4 =	sand.u32 $0x1, s4;
	s6 =	sshll.u32 s1, $0x9  }
0x6: {  	[smem:$0x7FF] =	sst s2;
	s7 =	sshll.u32 s4, $0x8;
	s4 =	ssub.s32 $0x2, s4  }
0x7: {  	_ =	strace $0x80000047;
	s6 =	sor.u32 s7, s6;
	s31 =	sshrl.u32 s4, $0x1  }
0x8: {  	s8 =	sadd.s32 s6, s3;
	s7 =	ssub.s32 s4, s31;
	s6 =	sshll.u32 s6, $0x3  }
0x9: {  	s3 =	sadd.s32 $0xA00, s8;
	s4 =	sadd.s32 $0x2A00, s8;
	s5 =	sadd.s32 s5, s6  }
0xa: {  	v0 =	vimm.f32 $0.0e+00;
	v1 =	vlaneseq.u32;
	s6 =	smax.u32 s7, $0x1;
	s7 =	simm.s32 $0x1;
	s8 =	simm.s32 $0x800  }
.LBB2_1:
0xb: {  	[tilespmem:s2], [sflag:$0x1] =	stream.linear.gather [hbm4b:s3+s2], $0x800, $0x38;
	[tilespmem:$0x5000] =	vst v63  }
0xc: {  	_ =	swait.ge [sflag:s7], $0x800  }
0xd: {  	[sflag:s7] =	ssyncset.done $0x0  }
0xe: {  	[sflag:s7] =	ssyncadd.s32 $0xFFFFF800  }
0xf: {  	[tilespmem:s8], [sflag:$0x1] =	stream.linear.gather [hbm4b:s4+s2], $0x800, $0x38;
	[tilespmem:$0x5000] =	vst v63  }
0x10: {  	_ =	swait.ge [sflag:s7], $0x800  }
0x11: {  	[sflag:s7] =	ssyncset.done $0x0  }
0x12: {  	s11 =	simm.s32 $0x1200;
	[sflag:s7] =	ssyncadd.s32 $0xFFFFF800  }
0x13: {  	[tilespmem:s11+$0xFFFFFE00] =	vst v0  }
0x14: {  	[tilespmem:s11+$0x1F0] =	vst v0  }
0x15: {  	[tilespmem:s11+$0x1E0] =	vst v0  }
0x16: {  	[tilespmem:s11+$0x1D0] =	vst v0  }
0x17: {  	[tilespmem:s11+$0x1C0] =	vst v0  }
0x18: {  	[tilespmem:s11+$0x1B0] =	vst v0  }
0x19: {  	[tilespmem:s11+$0x1A0] =	vst v0  }
0x1a: {  	[tilespmem:s11+$0x190] =	vst v0  }
0x1b: {  	[tilespmem:s11+$0x180] =	vst v0  }
0x1c: {  	[tilespmem:s11+$0x170] =	vst v0  }
0x1d: {  	[tilespmem:s11+$0x160] =	vst v0  }
0x1e: {  	[tilespmem:s11+$0x150] =	vst v0  }
0x1f: {  	[tilespmem:s11+$0x140] =	vst v0  }
0x20: {  	[tilespmem:s11+$0x130] =	vst v0  }
0x21: {  	[tilespmem:s11+$0x120] =	vst v0  }
0x22: {  	[tilespmem:s11+$0x110] =	vst v0  }
0x23: {  	[tilespmem:s11+$0x100] =	vst v0  }
0x24: {  	[tilespmem:s11+$0xF0] =	vst v0  }
0x25: {  	[tilespmem:s11+$0xE0] =	vst v0  }
0x26: {  	[tilespmem:s11+$0xD0] =	vst v0  }
0x27: {  	[tilespmem:s11+$0xC0] =	vst v0  }
0x28: {  	[tilespmem:s11+$0xB0] =	vst v0  }
0x29: {  	[tilespmem:s11+$0xA0] =	vst v0  }
0x2a: {  	[tilespmem:s11+$0x90] =	vst v0  }
0x2b: {  	[tilespmem:s11+$0x80] =	vst v0  }
0x2c: {  	[tilespmem:s11+$0x70] =	vst v0  }
0x2d: {  	[tilespmem:s11+$0x60] =	vst v0  }
0x2e: {  	[tilespmem:s11+$0x50] =	vst v0  }
0x2f: {  	[tilespmem:s11+$0x40] =	vst v0  }
0x30: {  	[tilespmem:s11+$0x30] =	vst v0  }
0x31: {  	[tilespmem:s11+$0x20] =	vst v0  }
0x32: {  	[tilespmem:s11+$0x10] =	vst v0  }
0x33: {  	[tilespmem:s11+$0x0] =	vst v0  }
0x34: {  	[tilespmem:s11+$0xFFFFFFF0] =	vst v0  }
0x35: {  	[tilespmem:s11+$0xFFFFFFE0] =	vst v0  }
0x36: {  	[tilespmem:s11+$0xFFFFFFD0] =	vst v0  }
0x37: {  	[tilespmem:s11+$0xFFFFFFC0] =	vst v0  }
0x38: {  	[tilespmem:s11+$0xFFFFFFB0] =	vst v0  }
0x39: {  	[tilespmem:s11+$0xFFFFFFA0] =	vst v0  }
0x3a: {  	[tilespmem:s11+$0xFFFFFF90] =	vst v0  }
0x3b: {  	[tilespmem:s11+$0xFFFFFF80] =	vst v0  }
0x3c: {  	[tilespmem:s11+$0xFFFFFF70] =	vst v0  }
0x3d: {  	[tilespmem:s11+$0xFFFFFF60] =	vst v0  }
0x3e: {  	[tilespmem:s11+$0xFFFFFF50] =	vst v0  }
0x3f: {  	[tilespmem:s11+$0xFFFFFF40] =	vst v0  }
0x40: {  	[tilespmem:s11+$0xFFFFFF30] =	vst v0  }
0x41: {  	[tilespmem:s11+$0xFFFFFF20] =	vst v0  }
0x42: {  	[tilespmem:s11+$0xFFFFFF10] =	vst v0  }
0x43: {  	[tilespmem:s11+$0xFFFFFF00] =	vst v0  }
0x44: {  	[tilespmem:s11+$0xFFFFFEF0] =	vst v0  }
0x45: {  	[tilespmem:s11+$0xFFFFFEE0] =	vst v0  }
0x46: {  	[tilespmem:s11+$0xFFFFFED0] =	vst v0  }
0x47: {  	[tilespmem:s11+$0xFFFFFEC0] =	vst v0  }
0x48: {  	[tilespmem:s11+$0xFFFFFEB0] =	vst v0  }
0x49: {  	[tilespmem:s11+$0xFFFFFEA0] =	vst v0  }
0x4a: {  	[tilespmem:s11+$0xFFFFFE90] =	vst v0  }
0x4b: {  	[tilespmem:s11+$0xFFFFFE80] =	vst v0  }
0x4c: {  	[tilespmem:s11+$0xFFFFFE70] =	vst v0  }
0x4d: {  	v2 =	vor.u32 s2, v1;
	[tilespmem:s11+$0xFFFFFE60] =	vst v0  }
0x4e: {  	v3 =	vshll.u32 v2, $0x3;
	[tilespmem:s11+$0xFFFFFE50] =	vst v0  }
0x4f: {  	[tilespmem:s11+$0xFFFFFE40] =	vst v0  }
0x50: {  	v4 =	vor.u32 $0x1, v3;
	[tilespmem:s11+$0xFFFFFE30] =	vst v0  }
0x51: {  	[tilespmem:s11+$0xFFFFFE20] =	vst v0  }
0x52: {  	[tilespmem:s11+$0xFFFFFE10] =	vst v0  }
0x53: {  	v5 =	vld.idx.msk [tilespmem:v3+s8+$0x0], $0xffff;
	_ =	sdelay $0x1  }
0x54: {  	v6 =	vld.idx.msk [tilespmem:v4+s8+$0x0], $0xffff;
	_ =	sdelay $0x2  }
0x55: {  	v8 =	vshll.u32 v2, $0x6;
	v7 =	vand.u32 $0xFFFFFFF8, v5  }
0x56: {  	v2 =	vand.u32 $0x7, v5;
	v5 =	vadd.s32 v8, v7  }
0x57: {  	v63 =	vld.idx.msk [tilespmem:v3+s2+$0x0], $0xffff;
	v3 =	vand.u32 $0xFFFFFFF8, v6;
	v5 =	vor.u32 v2, v5  }
0x58: {  	v3 =	vadd.s32 v8, v3;
	v2 =	vld.idx.msk [tilespmem:v4+s2+$0x0], $0xffff;
	v4 =	vand.u32 $0x7, v6  }
0x59: {  	v3 =	vor.u32 v4, v3;
	_ =	sdelay $0x2  }
0x5a: {  	s12 =	simm.s32 $0x10;
	[tilespmem:v5+s9+$0x0] =	vst.idx.msk $0xffff, v63  }
.LBB2_2:
0x5b: {  	p0 =	sne.s32 s12, $0xF0  }
0x5c: {  	[tilespmem:v3+s9+$0x0] =	vst.idx.msk $0xffff, v2;
	s11 =	sadd.s32 $0x400, s11;
	s13 =	smov.u32 s12;
	s12 =	sadd.s32 $0x10, s12  }
0x5d: {  	[tilespmem:s11+$0xFFFFFE00] =	vst v0  }
0x5e: {  	[tilespmem:s11+$0x1F0] =	vst v0  }
0x5f: {  	[tilespmem:s11+$0x1E0] =	vst v0  }
0x60: {  	[tilespmem:s11+$0x1D0] =	vst v0  }
0x61: {  	[tilespmem:s11+$0x1C0] =	vst v0  }
0x62: {  	[tilespmem:s11+$0x1B0] =	vst v0  }
0x63: {  	[tilespmem:s11+$0x1A0] =	vst v0  }
0x64: {  	[tilespmem:s11+$0x190] =	vst v0  }
0x65: {  	[tilespmem:s11+$0x180] =	vst v0  }
0x66: {  	[tilespmem:s11+$0x170] =	vst v0  }
0x67: {  	[tilespmem:s11+$0x160] =	vst v0  }
0x68: {  	[tilespmem:s11+$0x150] =	vst v0  }
0x69: {  	[tilespmem:s11+$0x140] =	vst v0  }
0x6a: {  	[tilespmem:s11+$0x130] =	vst v0  }
0x6b: {  	[tilespmem:s11+$0x120] =	vst v0  }
0x6c: {  	[tilespmem:s11+$0x110] =	vst v0  }
0x6d: {  	[tilespmem:s11+$0x100] =	vst v0  }
0x6e: {  	[tilespmem:s11+$0xF0] =	vst v0  }
0x6f: {  	[tilespmem:s11+$0xE0] =	vst v0  }
0x70: {  	[tilespmem:s11+$0xD0] =	vst v0  }
0x71: {  	[tilespmem:s11+$0xC0] =	vst v0  }
0x72: {  	[tilespmem:s11+$0xB0] =	vst v0  }
0x73: {  	[tilespmem:s11+$0xA0] =	vst v0  }
0x74: {  	[tilespmem:s11+$0x90] =	vst v0  }
0x75: {  	[tilespmem:s11+$0x80] =	vst v0  }
0x76: {  	[tilespmem:s11+$0x70] =	vst v0  }
0x77: {  	[tilespmem:s11+$0x60] =	vst v0  }
0x78: {  	[tilespmem:s11+$0x50] =	vst v0  }
0x79: {  	[tilespmem:s11+$0x40] =	vst v0  }
0x7a: {  	[tilespmem:s11+$0x30] =	vst v0  }
0x7b: {  	[tilespmem:s11+$0x20] =	vst v0  }
0x7c: {  	[tilespmem:s11+$0x10] =	vst v0  }
0x7d: {  	[tilespmem:s11+$0x0] =	vst v0  }
0x7e: {  	[tilespmem:s11+$0xFFFFFFF0] =	vst v0  }
0x7f: {  	[tilespmem:s11+$0xFFFFFFE0] =	vst v0  }
0x80: {  	[tilespmem:s11+$0xFFFFFFD0] =	vst v0  }
0x81: {  	[tilespmem:s11+$0xFFFFFFC0] =	vst v0  }
0x82: {  	[tilespmem:s11+$0xFFFFFFB0] =	vst v0  }
0x83: {  	[tilespmem:s11+$0xFFFFFFA0] =	vst v0  }
0x84: {  	[tilespmem:s11+$0xFFFFFF90] =	vst v0  }
0x85: {  	[tilespmem:s11+$0xFFFFFF80] =	vst v0  }
0x86: {  	[tilespmem:s11+$0xFFFFFF70] =	vst v0  }
0x87: {  	[tilespmem:s11+$0xFFFFFF60] =	vst v0  }
0x88: {  	[tilespmem:s11+$0xFFFFFF50] =	vst v0  }
0x89: {  	[tilespmem:s11+$0xFFFFFF40] =	vst v0  }
0x8a: {  	[tilespmem:s11+$0xFFFFFF30] =	vst v0  }
0x8b: {  	[tilespmem:s11+$0xFFFFFF20] =	vst v0  }
0x8c: {  	[tilespmem:s11+$0xFFFFFF10] =	vst v0  }
0x8d: {  	[tilespmem:s11+$0xFFFFFF00] =	vst v0  }
0x8e: {  	[tilespmem:s11+$0xFFFFFEF0] =	vst v0  }
0x8f: {  	[tilespmem:s11+$0xFFFFFEE0] =	vst v0  }
0x90: {  	[tilespmem:s11+$0xFFFFFED0] =	vst v0  }
0x91: {  	[tilespmem:s11+$0xFFFFFEC0] =	vst v0  }
0x92: {  	[tilespmem:s11+$0xFFFFFEB0] =	vst v0  }
0x93: {  	[tilespmem:s11+$0xFFFFFEA0] =	vst v0  }
0x94: {  	[tilespmem:s11+$0xFFFFFE90] =	vst v0  }
0x95: {  	[tilespmem:s11+$0xFFFFFE80] =	vst v0  }
0x96: {  	[tilespmem:s11+$0xFFFFFE70] =	vst v0  }
0x97: {  	v3 =	vor.u32 s13, v1;
	[tilespmem:s11+$0xFFFFFE60] =	vst v0  }
0x98: {  	v2 =	vshll.u32 v3, $0x3;
	[tilespmem:s11+$0xFFFFFE50] =	vst v0  }
0x99: {  	v4 =	vor.u32 $0x1, v2;
	[tilespmem:s11+$0xFFFFFE40] =	vst v0  }
0x9a: {  	[tilespmem:s11+$0xFFFFFE30] =	vst v0  }
0x9b: {  	[tilespmem:s11+$0xFFFFFE20] =	vst v0  }
0x9c: {  	[tilespmem:s11+$0xFFFFFE10] =	vst v0  }
0x9d: {  	v5 =	vld.idx.msk [tilespmem:v2+s8+$0x0], $0xffff  }
0x9e: {  	v6 =	vld.idx.msk [tilespmem:v4+s8+$0x0], $0xffff  }
0x9f: {  	v7 =	vld.idx.msk [tilespmem:v2+s2+$0x0], $0xffff  }
0xa0: {  	v2 =	vld.idx.msk [tilespmem:v4+s2+$0x0], $0xffff;
	_ =	sdelay $0x2  }
0xa1: {  	v3 =	vshll.u32 v3, $0x6;
	v4 =	vand.u32 $0xFFFFFFF8, v5  }
0xa2: {  	v5 =	vand.u32 $0x7, v5;
	v4 =	vadd.s32 v3, v4;
	v8 =	vand.u32 $0xFFFFFFF8, v6  }
0xa3: {  	v4 =	vor.u32 v5, v4;
	v5 =	vand.u32 $0x7, v6;
	v3 =	vadd.s32 v3, v8  }
.Ltmp0:
0xa4: {  	v3 =	vor.u32 v5, v3;
	(pc) =	sbr.rel @p0 .LBB2_2-.Ltmp0, $2  }
0xa5: {  	_ =	sdelay $0x2  }
0xa6: {  	[tilespmem:v4+s9+$0x0] =	vst.idx.msk $0xffff, v7  }
0xa7: {  	_ =	sdelay $0x1  }
0xa8: {  	s10 =	sadd.s32 $0x1, s10  }
0xa9: {  	p0 =	sne.s32 s10, s6  }
.Ltmp1:
0xaa: {  	[tilespmem:v3+s9+$0x0] =	vst.idx.msk $0xffff, v2;
	(pc) =	sbr.rel @p0 .LBB2_1-.Ltmp1, $4  }
0xab: {  	[hbm4b:s5+s2] =	stream.linear.scatter [tilespmem:s9], [sflag:$0x1], $0x4000, $0x38;
	[tilespmem:$0x5000] =	vst v63  }
0xac: {  	_ =	swait.ge [sflag:s7], $0x4000  }
0xad: {  	[sflag:s7] =	ssyncset.done $0x0  }
0xae: {  	[sflag:s7] =	ssyncadd.s32 $0xFFFFC000  }
0xaf: {  	_ =	sfence.sel $0x180000  }
0xb0: {  	[bflag:$0x0] =	sbarrier.arrive $0xFFFF  }
0xb1: {  	p0 =	sne.s32 s1, $0x0;
	_ =	strace $0x90000047  }
0xb2: {  	s0 =	sadd.s32 @!p0 $0x100000, s0;
	[bflag:$0x2] =	sbarrier.arrive $0xFFFF  }
0xb3: {  	[sflag:s0] =	ssyncadd.tile.s32 @!p0 $0x1;
	_ =	shalt  }
.Lfunc_end2:
_tile_overlayer_lowered:
.L_overlay_start_2:
0xb4: {  	(tag) =	ssettag $0x2  }
0xb5: {  	s0 =	rddreg [dreg:$0x0];
	s2 =	stileid.u32  }
0xb6: {  	s1 =	rddreg [dreg:$0x1];
	p0 =	sne.s32 s2, $0x0  }
0xb7: {  	s3 =	rddreg [dreg:$0x2];
	[bflag:$0x3] =	sbarrier.arrive $0xFFFF;
	s2 =	simm.s32 @!p0 $0x1C01  }
0xb8: {  	[timem:s3], [sflag:s2] =	dma.local @!p0 [hbm:s0], s1  }
0xb9: {  	s0 =	simm.s32 @!p0 $0x1  }
0xba: {  	_ =	swait.ge @!p0 [sflag:s0], s1  }
0xbb: {  	s1 =	ssub.s32 @!p0 $0x0, s1;
	[sflag:s0] =	ssyncset.done @!p0 $0x0  }
0xbc: {  	[sflag:s0] =	ssyncadd.s32 @!p0 s1  }
0xbd: {  	[bflag:$0x3] =	sbarrier.arrive $0xFFFF  }
0xbe: {  	_ =	shalt  }

</sc_bundles>
